<compile_context>
chip_gen: v7x
topology: tpu7x:2x2x1
jax: 0.10.2.dev20260603
libtpu: 0.0.44.dev20260713+nightly
codegen_flags: <defaults>
</compile_context>

<pallas_src>
import functools

import jax
import jax.numpy as jnp
import numpy as np
from jax import lax
from jax.experimental import pallas as pl
from jax.experimental.pallas import tpu as pltpu
from jax.experimental.pallas import tpu_sc as plsc

_NE = 1024
_D = 128
_N = 32 * 1024
_BT = 512
_SCALE = 1.25 / (_N * _D)
_NHALF = _N // 2

_NW = 32
_CH = 128
_NBUF = 6

_IDS = np.broadcast_to(
    np.arange(_NE, dtype=np.float32)[:, None], (_NE, _BT)).copy()


def _tc_body(x_ref, cbm2_ref, cbn_ref, ids_ref, idx_ref, loss_ref):
    i = pl.program_id(0)
    xb = x_ref[...]
    cbm2 = cbm2_ref[...]
    ab2 = lax.dot_general(cbm2, xb, (((1,), (1,)), ((), ())),
                          preferred_element_type=jnp.float32)
    xsqT = (xb * xb).T
    s = xsqT[0:8, :]
    for j in range(1, 16):
        s = s + xsqT[8 * j:8 * (j + 1), :]
    w = 8
    while w > 1:
        w //= 2
        s = s[:w, :] + s[w:, :]
    rnT = s
    cbnT = cbn_ref[...]
    d2 = (rnT + ab2) + cbnT
    dist = jnp.sqrt(jnp.maximum(d2, 0.0))
    minv = jnp.min(dist, axis=0, keepdims=True)
    ids = ids_ref[...]
    idxf = jnp.min(jnp.where(dist == minv, ids, jnp.float32(_NE)), axis=0)
    idx_ref[0, 0, :] = idxf.astype(jnp.int32)

    mv = minv[0, :]
    part = jnp.sum(mv * mv)

    @pl.when(i == 0)
    def _init():
        loss_ref[0, 0] = 0.0

    loss_ref[0, 0] += part


def _make_tc(ntok):
    grid = ntok // _BT
    return pl.pallas_call(
        _tc_body,
        grid=(grid,),
        in_specs=[
            pl.BlockSpec((_BT, _D), lambda i: (i, 0)),
            pl.BlockSpec((_NE, _D), lambda i: (0, 0)),
            pl.BlockSpec((_NE, 1), lambda i: (0, 0)),
            pl.BlockSpec((_NE, _BT), lambda i: (0, 0)),
        ],
        out_specs=[
            pl.BlockSpec((1, 1, _BT), lambda i: (i, 0, 0)),
            pl.BlockSpec(memory_space=pltpu.SMEM),
        ],
        out_shape=[
            jax.ShapeDtypeStruct((grid, 1, _BT), jnp.int32),
            jax.ShapeDtypeStruct((1, 1), jnp.float32),
        ],
    )


_tc_full = _make_tc(_N)


def _sc_gather(codebook, idx2d, nrows):
    rpw = nrows // _NW
    nch = rpw // _CH
    mesh = plsc.VectorSubcoreMesh(core_axis_name="c", subcore_axis_name="s")

    @functools.partial(
        pl.kernel,
        mesh=mesh,
        out_type=jax.ShapeDtypeStruct((nrows, _D), jnp.float32),
        scratch_types=(
            [pltpu.VMEM((nch, _CH), jnp.int32)]
            + [pltpu.VMEM((_CH, _D), jnp.float32) for _ in range(_NBUF)]
            + [pltpu.SemaphoreType.DMA for _ in range(2 * _NBUF)]
        ),
    )
    def k(cb_hbm, idx_hbm, out_hbm, idx_v, *rs):
        bufs = rs[:_NBUF]
        gsem = rs[_NBUF:2 * _NBUF]
        wsem = rs[2 * _NBUF:]
        wid = lax.axis_index("s") * 2 + lax.axis_index("c")
        pltpu.sync_copy(idx_hbm.at[pl.ds(wid * nch, nch)], idx_v)
        gathers = [None] * nch
        writes = [None] * nch
        for j in range(min(_NBUF, nch)):
            gathers[j] = pltpu.async_copy(
                cb_hbm.at[idx_v.at[j]], bufs[j % _NBUF], gsem[j % _NBUF])
        for j in range(nch):
            gathers[j].wait()
            writes[j] = pltpu.async_copy(
                bufs[j % _NBUF],
                out_hbm.at[pl.ds(wid * rpw + j * _CH, _CH)],
                wsem[j % _NBUF])
            jp = j - 1
            if jp >= 0 and jp + _NBUF < nch:
                writes[jp].wait()
                gathers[jp + _NBUF] = pltpu.async_copy(
                    cb_hbm.at[idx_v.at[jp + _NBUF]], bufs[jp % _NBUF],
                    gsem[jp % _NBUF])
        for j in range(max(nch - _NBUF, 0), nch):
            writes[j].wait()

    return k(codebook, idx2d)


def kernel(x, codebook):
    flat = x.reshape(_N, _D)
    cbm2 = -2.0 * codebook
    cbn = jnp.sum(codebook * codebook, axis=1)[:, None]
    idx3, acc = _tc_full(flat, cbm2, cbn, _IDS)
    indices = idx3.reshape(_N)
    q = _sc_gather(codebook, indices.reshape(_N // _D, _D), _N)
    loss = acc[0, 0] * _SCALE
    return q.reshape(x.shape), loss, indices

# --- scband reference (transcript-rebuilt; emitter-appended) ---
"""Pipeline reference for scband-vector-quantizer-33139967656240 (READ-ONLY COPY).

The authoritative reference and input builder live on the scoring server;
editing this copy changes nothing except your own understanding.
"""

import jax, jax.numpy as jnp
import numpy as np

NUM_EMBEDDINGS = 1024
EMBEDDING_DIM = 128
COMMITMENT_COST = 0.25


def setup_inputs(seed: int = 0) -> dict:
    key = jax.random.key(seed)
    k1, k2 = jax.random.split(key)
    x = jax.random.normal(k1, (32, 1024, EMBEDDING_DIM), dtype=jnp.float32)
    codebook = jax.random.uniform(
        k2, (NUM_EMBEDDINGS, EMBEDDING_DIM),
        minval=-1.0 / NUM_EMBEDDINGS, maxval=1.0 / NUM_EMBEDDINGS,
        dtype=jnp.float32,
    )
    return {"x": x, "codebook": codebook}


def reference(x, codebook):
    flat = x.reshape(-1, EMBEDDING_DIM)
    # torch.cdist (p=2): euclidean distances between tokens and codebook rows
    d2 = (jnp.sum(flat * flat, axis=1, keepdims=True)
          - 2.0 * (flat @ codebook.T)
          + jnp.sum(codebook * codebook, axis=1)[None, :])
    dist = jnp.sqrt(jnp.maximum(d2, 0.0))
    encoding_indices = jnp.argmin(dist, axis=1)
    quantized = jnp.take(codebook, encoding_indices, axis=0).reshape(x.shape)
    e_latent_loss = jnp.mean((jax.lax.stop_gradient(quantized) - x) ** 2)
    q_latent_loss = jnp.mean((quantized - jax.lax.stop_gradient(x)) ** 2)
    loss = q_latent_loss + COMMITMENT_COST * e_latent_loss
    quantized_st = x + jax.lax.stop_gradient(quantized - x)
    return quantized_st, loss, encoding_indices

if __name__ == "__main__":
    import jax
    _d = setup_inputs()
    print(jax.jit(kernel)(*tuple(_d.values())))

</pallas_src>

<mosaic_0001>
#map = affine_map<(d0, d1) -> (0, 0)>
module attributes {stable_mosaic.version = 14 : i64} {
  func.func @k(%arg0: i32, %arg1: i32, %arg2: memref<1024x128xf32, #tpu.memory_space<hbm>>, %arg3: memref<256x128xi32, #tpu.memory_space<hbm>>, %arg4: memref<32768x128xf32, #tpu.memory_space<hbm>>, %arg5: memref<8x128xi32, #tpu.memory_space<vmem>>, %arg6: memref<128x128xf32, #tpu.memory_space<vmem>>, %arg7: memref<128x128xf32, #tpu.memory_space<vmem>>, %arg8: memref<128x128xf32, #tpu.memory_space<vmem>>, %arg9: memref<128x128xf32, #tpu.memory_space<vmem>>, %arg10: memref<128x128xf32, #tpu.memory_space<vmem>>, %arg11: memref<128x128xf32, #tpu.memory_space<vmem>>, %arg12: memref<!tpu.dma_semaphore, #tpu.memory_space<semaphore_mem>>, %arg13: memref<!tpu.dma_semaphore, #tpu.memory_space<semaphore_mem>>, %arg14: memref<!tpu.dma_semaphore, #tpu.memory_space<semaphore_mem>>, %arg15: memref<!tpu.dma_semaphore, #tpu.memory_space<semaphore_mem>>, %arg16: memref<!tpu.dma_semaphore, #tpu.memory_space<semaphore_mem>>, %arg17: memref<!tpu.dma_semaphore, #tpu.memory_space<semaphore_mem>>, %arg18: memref<!tpu.dma_semaphore, #tpu.memory_space<semaphore_mem>>, %arg19: memref<!tpu.dma_semaphore, #tpu.memory_space<semaphore_mem>>, %arg20: memref<!tpu.dma_semaphore, #tpu.memory_space<semaphore_mem>>, %arg21: memref<!tpu.dma_semaphore, #tpu.memory_space<semaphore_mem>>, %arg22: memref<!tpu.dma_semaphore, #tpu.memory_space<semaphore_mem>>, %arg23: memref<!tpu.dma_semaphore, #tpu.memory_space<semaphore_mem>>) attributes {dimension_semantics = [#tpu.dimension_semantics<core_parallel>, #tpu.dimension_semantics<subcore_parallel>], iteration_bounds = array<i64: 2, 16>, scalar_prefetch = 0 : i64, scratch_operands = 19 : i64, tpu.core_type = #tpu.core_type<sc_vector_subcore>, window_params = [{transform_indices = #map}, {transform_indices = #map}, {transform_indices = #map}]} {
    %mul3A = arith.constant 2 : i32
    %mul3A_0 = arith.muli %arg1, %mul3A : i32
    %add3A = arith.addi %mul3A_0, %arg0 : i32
    %mul3A_1 = arith.constant 8 : i32
    %mul3A_2 = arith.muli %add3A, %mul3A_1 : i32
    "tpu.region"() ({
      %run_scoped3A = tpu.sem_alloc : memref<!tpu.dma_semaphore, #tpu.memory_space<semaphore_mem>>
      %dma_start3A_209 = arith.constant 0 : i32
      %dma_start3A_210 = tpu.memref_slice %arg3[%mul3A_2, %dma_start3A_209] : memref<256x128xi32, #tpu.memory_space<hbm>> -> memref<8x128xi32, #tpu.memory_space<hbm>>
      %dma_start3A_211 = arith.constant 0 : i32
      %dma_start3A_212 = tpu.memref_slice %arg3[%mul3A_2, %dma_start3A_211] : memref<256x128xi32, #tpu.memory_space<hbm>> -> memref<8x128xi32, #tpu.memory_space<hbm>>
      tpu.enqueue_dma source(%dma_start3A_212 : memref<8x128xi32, #tpu.memory_space<hbm>>) target(%arg5 : memref<8x128xi32, #tpu.memory_space<vmem>>) target_semaphore(%run_scoped3A : memref<!tpu.dma_semaphore, #tpu.memory_space<semaphore_mem>>)
      %dma_wait3A_213 = arith.constant 0 : i32
      %dma_wait3A_214 = tpu.memref_slice %arg3[%mul3A_2, %dma_wait3A_213] : memref<256x128xi32, #tpu.memory_space<hbm>> -> memref<8x128xi32, #tpu.memory_space<hbm>>
      %dma_wait3A_215 = arith.constant 0 : i32
      %dma_wait3A_216 = tpu.memref_slice %arg3[%mul3A_2, %dma_wait3A_215] : memref<256x128xi32, #tpu.memory_space<hbm>> -> memref<8x128xi32, #tpu.memory_space<hbm>>
      tpu.wait_dma2 semaphore(%run_scoped3A : memref<!tpu.dma_semaphore, #tpu.memory_space<semaphore_mem>>) src(%dma_wait3A_216 : memref<8x128xi32, #tpu.memory_space<hbm>>) dst(%arg5 : memref<8x128xi32, #tpu.memory_space<vmem>>)
      tpu.yield
    }) : () -> ()
    %dma_start3A = arith.constant 0 : i32
    %dma_start3A_3 = arith.constant 0 : i32
    %dma_start3A_4 = tpu.memref_slice %arg5[%dma_start3A, %dma_start3A_3] : memref<8x128xi32, #tpu.memory_space<vmem>> -> memref<1x128xi32, #tpu.memory_space<vmem>>
    %dma_start3A_5 = tpu.memref_squeeze %dma_start3A_4 : memref<1x128xi32, #tpu.memory_space<vmem>> -> memref<128xi32, #tpu.memory_space<vmem>>
    %dma_start3A_6 = arith.constant 0 : i32
    %dma_start3A_7 = arith.constant 0 : i32
    %dma_start3A_8 = tpu.memref_slice %arg2[%dma_start3A_6, %dma_start3A_7] : memref<1024x128xf32, #tpu.memory_space<hbm>> -> memref<1024x128xf32, #tpu.memory_space<hbm>>
    tpu.enqueue_indirect_dma source(%dma_start3A_8 : memref<1024x128xf32, #tpu.memory_space<hbm>>) target(%arg6 : memref<128x128xf32, #tpu.memory_space<vmem>>) offsets(%dma_start3A_5 : memref<128xi32, #tpu.memory_space<vmem>>) semaphore(%arg12 : memref<!tpu.dma_semaphore, #tpu.memory_space<semaphore_mem>>)
    %dma_start3A_9 = arith.constant 1 : i32
    %dma_start3A_10 = arith.constant 0 : i32
    %dma_start3A_11 = tpu.memref_slice %arg5[%dma_start3A_9, %dma_start3A_10] : memref<8x128xi32, #tpu.memory_space<vmem>> -> memref<1x128xi32, #tpu.memory_space<vmem>>
    %dma_start3A_12 = tpu.memref_squeeze %dma_start3A_11 : memref<1x128xi32, #tpu.memory_space<vmem>> -> memref<128xi32, #tpu.memory_space<vmem>>
    %dma_start3A_13 = arith.constant 0 : i32
    %dma_start3A_14 = arith.constant 0 : i32
    %dma_start3A_15 = tpu.memref_slice %arg2[%dma_start3A_13, %dma_start3A_14] : memref<1024x128xf32, #tpu.memory_space<hbm>> -> memref<1024x128xf32, #tpu.memory_space<hbm>>
    tpu.enqueue_indirect_dma source(%dma_start3A_15 : memref<1024x128xf32, #tpu.memory_space<hbm>>) target(%arg7 : memref<128x128xf32, #tpu.memory_space<vmem>>) offsets(%dma_start3A_12 : memref<128xi32, #tpu.memory_space<vmem>>) semaphore(%arg13 : memref<!tpu.dma_semaphore, #tpu.memory_space<semaphore_mem>>)
    %dma_start3A_16 = arith.constant 2 : i32
    %dma_start3A_17 = arith.constant 0 : i32
    %dma_start3A_18 = tpu.memref_slice %arg5[%dma_start3A_16, %dma_start3A_17] : memref<8x128xi32, #tpu.memory_space<vmem>> -> memref<1x128xi32, #tpu.memory_space<vmem>>
    %dma_start3A_19 = tpu.memref_squeeze %dma_start3A_18 : memref<1x128xi32, #tpu.memory_space<vmem>> -> memref<128xi32, #tpu.memory_space<vmem>>
    %dma_start3A_20 = arith.constant 0 : i32
    %dma_start3A_21 = arith.constant 0 : i32
    %dma_start3A_22 = tpu.memref_slice %arg2[%dma_start3A_20, %dma_start3A_21] : memref<1024x128xf32, #tpu.memory_space<hbm>> -> memref<1024x128xf32, #tpu.memory_space<hbm>>
    tpu.enqueue_indirect_dma source(%dma_start3A_22 : memref<1024x128xf32, #tpu.memory_space<hbm>>) target(%arg8 : memref<128x128xf32, #tpu.memory_space<vmem>>) offsets(%dma_start3A_19 : memref<128xi32, #tpu.memory_space<vmem>>) semaphore(%arg14 : memref<!tpu.dma_semaphore, #tpu.memory_space<semaphore_mem>>)
    %dma_start3A_23 = arith.constant 3 : i32
    %dma_start3A_24 = arith.constant 0 : i32
    %dma_start3A_25 = tpu.memref_slice %arg5[%dma_start3A_23, %dma_start3A_24] : memref<8x128xi32, #tpu.memory_space<vmem>> -> memref<1x128xi32, #tpu.memory_space<vmem>>
    %dma_start3A_26 = tpu.memref_squeeze %dma_start3A_25 : memref<1x128xi32, #tpu.memory_space<vmem>> -> memref<128xi32, #tpu.memory_space<vmem>>
    %dma_start3A_27 = arith.constant 0 : i32
    %dma_start3A_28 = arith.constant 0 : i32
    %dma_start3A_29 = tpu.memref_slice %arg2[%dma_start3A_27, %dma_start3A_28] : memref<1024x128xf32, #tpu.memory_space<hbm>> -> memref<1024x128xf32, #tpu.memory_space<hbm>>
    tpu.enqueue_indirect_dma source(%dma_start3A_29 : memref<1024x128xf32, #tpu.memory_space<hbm>>) target(%arg9 : memref<128x128xf32, #tpu.memory_space<vmem>>) offsets(%dma_start3A_26 : memref<128xi32, #tpu.memory_space<vmem>>) semaphore(%arg15 : memref<!tpu.dma_semaphore, #tpu.memory_space<semaphore_mem>>)
    %dma_start3A_30 = arith.constant 4 : i32
    %dma_start3A_31 = arith.constant 0 : i32
    %dma_start3A_32 = tpu.memref_slice %arg5[%dma_start3A_30, %dma_start3A_31] : memref<8x128xi32, #tpu.memory_space<vmem>> -> memref<1x128xi32, #tpu.memory_space<vmem>>
    %dma_start3A_33 = tpu.memref_squeeze %dma_start3A_32 : memref<1x128xi32, #tpu.memory_space<vmem>> -> memref<128xi32, #tpu.memory_space<vmem>>
    %dma_start3A_34 = arith.constant 0 : i32
    %dma_start3A_35 = arith.constant 0 : i32
    %dma_start3A_36 = tpu.memref_slice %arg2[%dma_start3A_34, %dma_start3A_35] : memref<1024x128xf32, #tpu.memory_space<hbm>> -> memref<1024x128xf32, #tpu.memory_space<hbm>>
    tpu.enqueue_indirect_dma source(%dma_start3A_36 : memref<1024x128xf32, #tpu.memory_space<hbm>>) target(%arg10 : memref<128x128xf32, #tpu.memory_space<vmem>>) offsets(%dma_start3A_33 : memref<128xi32, #tpu.memory_space<vmem>>) semaphore(%arg16 : memref<!tpu.dma_semaphore, #tpu.memory_space<semaphore_mem>>)
    %dma_start3A_37 = arith.constant 5 : i32
    %dma_start3A_38 = arith.constant 0 : i32
    %dma_start3A_39 = tpu.memref_slice %arg5[%dma_start3A_37, %dma_start3A_38] : memref<8x128xi32, #tpu.memory_space<vmem>> -> memref<1x128xi32, #tpu.memory_space<vmem>>
    %dma_start3A_40 = tpu.memref_squeeze %dma_start3A_39 : memref<1x128xi32, #tpu.memory_space<vmem>> -> memref<128xi32, #tpu.memory_space<vmem>>
    %dma_start3A_41 = arith.constant 0 : i32
    %dma_start3A_42 = arith.constant 0 : i32
    %dma_start3A_43 = tpu.memref_slice %arg2[%dma_start3A_41, %dma_start3A_42] : memref<1024x128xf32, #tpu.memory_space<hbm>> -> memref<1024x128xf32, #tpu.memory_space<hbm>>
    tpu.enqueue_indirect_dma source(%dma_start3A_43 : memref<1024x128xf32, #tpu.memory_space<hbm>>) target(%arg11 : memref<128x128xf32, #tpu.memory_space<vmem>>) offsets(%dma_start3A_40 : memref<128xi32, #tpu.memory_space<vmem>>) semaphore(%arg17 : memref<!tpu.dma_semaphore, #tpu.memory_space<semaphore_mem>>)
    %dma_wait3A = arith.constant 0 : i32
    %dma_wait3A_44 = arith.constant 0 : i32
    %dma_wait3A_45 = tpu.memref_slice %arg5[%dma_wait3A, %dma_wait3A_44] : memref<8x128xi32, #tpu.memory_space<vmem>> -> memref<1x128xi32, #tpu.memory_space<vmem>>
    %dma_wait3A_46 = tpu.memref_squeeze %dma_wait3A_45 : memref<1x128xi32, #tpu.memory_space<vmem>> -> memref<128xi32, #tpu.memory_space<vmem>>
    %dma_wait3A_47 = arith.constant 0 : i32
    %dma_wait3A_48 = arith.constant 0 : i32
    %dma_wait3A_49 = tpu.memref_slice %arg2[%dma_wait3A_47, %dma_wait3A_48] : memref<1024x128xf32, #tpu.memory_space<hbm>> -> memref<1024x128xf32, #tpu.memory_space<hbm>>
    tpu.wait_indirect_dma semaphore(%arg12 : memref<!tpu.dma_semaphore, #tpu.memory_space<semaphore_mem>>) src(%dma_wait3A_49 : memref<1024x128xf32, #tpu.memory_space<hbm>>) dst(%arg6 : memref<128x128xf32, #tpu.memory_space<vmem>>)
    %mul3A_50 = arith.constant 1024 : i32
    %mul3A_51 = arith.muli %add3A, %mul3A_50 : i32
    %add3A_52 = arith.constant 0 : i32
    %add3A_53 = arith.addi %mul3A_51, %add3A_52 : i32
    %dma_start3A_54 = arith.constant 0 : i32
    %dma_start3A_55 = tpu.memref_slice %arg4[%add3A_53, %dma_start3A_54] : memref<32768x128xf32, #tpu.memory_space<hbm>> -> memref<128x128xf32, #tpu.memory_space<hbm>>
    %dma_start3A_56 = arith.constant 0 : i32
    %dma_start3A_57 = tpu.memref_slice %arg4[%add3A_53, %dma_start3A_56] : memref<32768x128xf32, #tpu.memory_space<hbm>> -> memref<128x128xf32, #tpu.memory_space<hbm>>
    tpu.enqueue_dma source(%arg6 : memref<128x128xf32, #tpu.memory_space<vmem>>) target(%dma_start3A_57 : memref<128x128xf32, #tpu.memory_space<hbm>>) target_semaphore(%arg18 : memref<!tpu.dma_semaphore, #tpu.memory_space<semaphore_mem>>)
    %dma_wait3A_58 = arith.constant 1 : i32
    %dma_wait3A_59 = arith.constant 0 : i32
    %dma_wait3A_60 = tpu.memref_slice %arg5[%dma_wait3A_58, %dma_wait3A_59] : memref<8x128xi32, #tpu.memory_space<vmem>> -> memref<1x128xi32, #tpu.memory_space<vmem>>
    %dma_wait3A_61 = tpu.memref_squeeze %dma_wait3A_60 : memref<1x128xi32, #tpu.memory_space<vmem>> -> memref<128xi32, #tpu.memory_space<vmem>>
    %dma_wait3A_62 = arith.constant 0 : i32
    %dma_wait3A_63 = arith.constant 0 : i32
    %dma_wait3A_64 = tpu.memref_slice %arg2[%dma_wait3A_62, %dma_wait3A_63] : memref<1024x128xf32, #tpu.memory_space<hbm>> -> memref<1024x128xf32, #tpu.memory_space<hbm>>
    tpu.wait_indirect_dma semaphore(%arg13 : memref<!tpu.dma_semaphore, #tpu.memory_space<semaphore_mem>>) src(%dma_wait3A_64 : memref<1024x128xf32, #tpu.memory_space<hbm>>) dst(%arg7 : memref<128x128xf32, #tpu.memory_space<vmem>>)
    %mul3A_65 = arith.constant 1024 : i32
    %mul3A_66 = arith.muli %add3A, %mul3A_65 : i32
    %add3A_67 = arith.constant 128 : i32
    %add3A_68 = arith.addi %mul3A_66, %add3A_67 : i32
    %dma_start3A_69 = arith.constant 0 : i32
    %dma_start3A_70 = tpu.memref_slice %arg4[%add3A_68, %dma_start3A_69] : memref<32768x128xf32, #tpu.memory_space<hbm>> -> memref<128x128xf32, #tpu.memory_space<hbm>>
    %dma_start3A_71 = arith.constant 0 : i32
    %dma_start3A_72 = tpu.memref_slice %arg4[%add3A_68, %dma_start3A_71] : memref<32768x128xf32, #tpu.memory_space<hbm>> -> memref<128x128xf32, #tpu.memory_space<hbm>>
    tpu.enqueue_dma source(%arg7 : memref<128x128xf32, #tpu.memory_space<vmem>>) target(%dma_start3A_72 : memref<128x128xf32, #tpu.memory_space<hbm>>) target_semaphore(%arg19 : memref<!tpu.dma_semaphore, #tpu.memory_space<semaphore_mem>>)
    %dma_wait3A_73 = arith.constant 0 : i32
    %dma_wait3A_74 = tpu.memref_slice %arg4[%add3A_53, %dma_wait3A_73] : memref<32768x128xf32, #tpu.memory_space<hbm>> -> memref<128x128xf32, #tpu.memory_space<hbm>>
    %dma_wait3A_75 = arith.constant 0 : i32
    %dma_wait3A_76 = tpu.memref_slice %arg4[%add3A_53, %dma_wait3A_75] : memref<32768x128xf32, #tpu.memory_space<hbm>> -> memref<128x128xf32, #tpu.memory_space<hbm>>
    tpu.wait_dma2 semaphore(%arg18 : memref<!tpu.dma_semaphore, #tpu.memory_space<semaphore_mem>>) src(%arg6 : memref<128x128xf32, #tpu.memory_space<vmem>>) dst(%dma_wait3A_76 : memref<128x128xf32, #tpu.memory_space<hbm>>)
    %dma_start3A_77 = arith.constant 6 : i32
    %dma_start3A_78 = arith.constant 0 : i32
    %dma_start3A_79 = tpu.memref_slice %arg5[%dma_start3A_77, %dma_start3A_78] : memref<8x128xi32, #tpu.memory_space<vmem>> -> memref<1x128xi32, #tpu.memory_space<vmem>>
    %dma_start3A_80 = tpu.memref_squeeze %dma_start3A_79 : memref<1x128xi32, #tpu.memory_space<vmem>> -> memref<128xi32, #tpu.memory_space<vmem>>
    %dma_start3A_81 = arith.constant 0 : i32
    %dma_start3A_82 = arith.constant 0 : i32
    %dma_start3A_83 = tpu.memref_slice %arg2[%dma_start3A_81, %dma_start3A_82] : memref<1024x128xf32, #tpu.memory_space<hbm>> -> memref<1024x128xf32, #tpu.memory_space<hbm>>
    tpu.enqueue_indirect_dma source(%dma_start3A_83 : memref<1024x128xf32, #tpu.memory_space<hbm>>) target(%arg6 : memref<128x128xf32, #tpu.memory_space<vmem>>) offsets(%dma_start3A_80 : memref<128xi32, #tpu.memory_space<vmem>>) semaphore(%arg12 : memref<!tpu.dma_semaphore, #tpu.memory_space<semaphore_mem>>)
    %dma_wait3A_84 = arith.constant 2 : i32
    %dma_wait3A_85 = arith.constant 0 : i32
    %dma_wait3A_86 = tpu.memref_slice %arg5[%dma_wait3A_84, %dma_wait3A_85] : memref<8x128xi32, #tpu.memory_space<vmem>> -> memref<1x128xi32, #tpu.memory_space<vmem>>
    %dma_wait3A_87 = tpu.memref_squeeze %dma_wait3A_86 : memref<1x128xi32, #tpu.memory_space<vmem>> -> memref<128xi32, #tpu.memory_space<vmem>>
    %dma_wait3A_88 = arith.constant 0 : i32
    %dma_wait3A_89 = arith.constant 0 : i32
    %dma_wait3A_90 = tpu.memref_slice %arg2[%dma_wait3A_88, %dma_wait3A_89] : memref<1024x128xf32, #tpu.memory_space<hbm>> -> memref<1024x128xf32, #tpu.memory_space<hbm>>
    tpu.wait_indirect_dma semaphore(%arg14 : memref<!tpu.dma_semaphore, #tpu.memory_space<semaphore_mem>>) src(%dma_wait3A_90 : memref<1024x128xf32, #tpu.memory_space<hbm>>) dst(%arg8 : memref<128x128xf32, #tpu.memory_space<vmem>>)
    %mul3A_91 = arith.constant 1024 : i32
    %mul3A_92 = arith.muli %add3A, %mul3A_91 : i32
    %add3A_93 = arith.constant 256 : i32
    %add3A_94 = arith.addi %mul3A_92, %add3A_93 : i32
    %dma_start3A_95 = arith.constant 0 : i32
    %dma_start3A_96 = tpu.memref_slice %arg4[%add3A_94, %dma_start3A_95] : memref<32768x128xf32, #tpu.memory_space<hbm>> -> memref<128x128xf32, #tpu.memory_space<hbm>>
    %dma_start3A_97 = arith.constant 0 : i32
    %dma_start3A_98 = tpu.memref_slice %arg4[%add3A_94, %dma_start3A_97] : memref<32768x128xf32, #tpu.memory_space<hbm>> -> memref<128x128xf32, #tpu.memory_space<hbm>>
    tpu.enqueue_dma source(%arg8 : memref<128x128xf32, #tpu.memory_space<vmem>>) target(%dma_start3A_98 : memref<128x128xf32, #tpu.memory_space<hbm>>) target_semaphore(%arg20 : memref<!tpu.dma_semaphore, #tpu.memory_space<semaphore_mem>>)
    %dma_wait3A_99 = arith.constant 0 : i32
    %dma_wait3A_100 = tpu.memref_slice %arg4[%add3A_68, %dma_wait3A_99] : memref<32768x128xf32, #tpu.memory_space<hbm>> -> memref<128x128xf32, #tpu.memory_space<hbm>>
    %dma_wait3A_101 = arith.constant 0 : i32
    %dma_wait3A_102 = tpu.memref_slice %arg4[%add3A_68, %dma_wait3A_101] : memref<32768x128xf32, #tpu.memory_space<hbm>> -> memref<128x128xf32, #tpu.memory_space<hbm>>
    tpu.wait_dma2 semaphore(%arg19 : memref<!tpu.dma_semaphore, #tpu.memory_space<semaphore_mem>>) src(%arg7 : memref<128x128xf32, #tpu.memory_space<vmem>>) dst(%dma_wait3A_102 : memref<128x128xf32, #tpu.memory_space<hbm>>)
    %dma_start3A_103 = arith.constant 7 : i32
    %dma_start3A_104 = arith.constant 0 : i32
    %dma_start3A_105 = tpu.memref_slice %arg5[%dma_start3A_103, %dma_start3A_104] : memref<8x128xi32, #tpu.memory_space<vmem>> -> memref<1x128xi32, #tpu.memory_space<vmem>>
    %dma_start3A_106 = tpu.memref_squeeze %dma_start3A_105 : memref<1x128xi32, #tpu.memory_space<vmem>> -> memref<128xi32, #tpu.memory_space<vmem>>
    %dma_start3A_107 = arith.constant 0 : i32
    %dma_start3A_108 = arith.constant 0 : i32
    %dma_start3A_109 = tpu.memref_slice %arg2[%dma_start3A_107, %dma_start3A_108] : memref<1024x128xf32, #tpu.memory_space<hbm>> -> memref<1024x128xf32, #tpu.memory_space<hbm>>
    tpu.enqueue_indirect_dma source(%dma_start3A_109 : memref<1024x128xf32, #tpu.memory_space<hbm>>) target(%arg7 : memref<128x128xf32, #tpu.memory_space<vmem>>) offsets(%dma_start3A_106 : memref<128xi32, #tpu.memory_space<vmem>>) semaphore(%arg13 : memref<!tpu.dma_semaphore, #tpu.memory_space<semaphore_mem>>)
    %dma_wait3A_110 = arith.constant 3 : i32
    %dma_wait3A_111 = arith.constant 0 : i32
    %dma_wait3A_112 = tpu.memref_slice %arg5[%dma_wait3A_110, %dma_wait3A_111] : memref<8x128xi32, #tpu.memory_space<vmem>> -> memref<1x128xi32, #tpu.memory_space<vmem>>
    %dma_wait3A_113 = tpu.memref_squeeze %dma_wait3A_112 : memref<1x128xi32, #tpu.memory_space<vmem>> -> memref<128xi32, #tpu.memory_space<vmem>>
    %dma_wait3A_114 = arith.constant 0 : i32
    %dma_wait3A_115 = arith.constant 0 : i32
    %dma_wait3A_116 = tpu.memref_slice %arg2[%dma_wait3A_114, %dma_wait3A_115] : memref<1024x128xf32, #tpu.memory_space<hbm>> -> memref<1024x128xf32, #tpu.memory_space<hbm>>
    tpu.wait_indirect_dma semaphore(%arg15 : memref<!tpu.dma_semaphore, #tpu.memory_space<semaphore_mem>>) src(%dma_wait3A_116 : memref<1024x128xf32, #tpu.memory_space<hbm>>) dst(%arg9 : memref<128x128xf32, #tpu.memory_space<vmem>>)
    %mul3A_117 = arith.constant 1024 : i32
    %mul3A_118 = arith.muli %add3A, %mul3A_117 : i32
    %add3A_119 = arith.constant 384 : i32
    %add3A_120 = arith.addi %mul3A_118, %add3A_119 : i32
    %dma_start3A_121 = arith.constant 0 : i32
    %dma_start3A_122 = tpu.memref_slice %arg4[%add3A_120, %dma_start3A_121] : memref<32768x128xf32, #tpu.memory_space<hbm>> -> memref<128x128xf32, #tpu.memory_space<hbm>>
    %dma_start3A_123 = arith.constant 0 : i32
    %dma_start3A_124 = tpu.memref_slice %arg4[%add3A_120, %dma_start3A_123] : memref<32768x128xf32, #tpu.memory_space<hbm>> -> memref<128x128xf32, #tpu.memory_space<hbm>>
    tpu.enqueue_dma source(%arg9 : memref<128x128xf32, #tpu.memory_space<vmem>>) target(%dma_start3A_124 : memref<128x128xf32, #tpu.memory_space<hbm>>) target_semaphore(%arg21 : memref<!tpu.dma_semaphore, #tpu.memory_space<semaphore_mem>>)
    %dma_wait3A_125 = arith.constant 4 : i32
    %dma_wait3A_126 = arith.constant 0 : i32
    %dma_wait3A_127 = tpu.memref_slice %arg5[%dma_wait3A_125, %dma_wait3A_126] : memref<8x128xi32, #tpu.memory_space<vmem>> -> memref<1x128xi32, #tpu.memory_space<vmem>>
    %dma_wait3A_128 = tpu.memref_squeeze %dma_wait3A_127 : memref<1x128xi32, #tpu.memory_space<vmem>> -> memref<128xi32, #tpu.memory_space<vmem>>
    %dma_wait3A_129 = arith.constant 0 : i32
    %dma_wait3A_130 = arith.constant 0 : i32
    %dma_wait3A_131 = tpu.memref_slice %arg2[%dma_wait3A_129, %dma_wait3A_130] : memref<1024x128xf32, #tpu.memory_space<hbm>> -> memref<1024x128xf32, #tpu.memory_space<hbm>>
    tpu.wait_indirect_dma semaphore(%arg16 : memref<!tpu.dma_semaphore, #tpu.memory_space<semaphore_mem>>) src(%dma_wait3A_131 : memref<1024x128xf32, #tpu.memory_space<hbm>>) dst(%arg10 : memref<128x128xf32, #tpu.memory_space<vmem>>)
    %mul3A_132 = arith.constant 1024 : i32
    %mul3A_133 = arith.muli %add3A, %mul3A_132 : i32
    %add3A_134 = arith.constant 512 : i32
    %add3A_135 = arith.addi %mul3A_133, %add3A_134 : i32
    %dma_start3A_136 = arith.constant 0 : i32
    %dma_start3A_137 = tpu.memref_slice %arg4[%add3A_135, %dma_start3A_136] : memref<32768x128xf32, #tpu.memory_space<hbm>> -> memref<128x128xf32, #tpu.memory_space<hbm>>
    %dma_start3A_138 = arith.constant 0 : i32
    %dma_start3A_139 = tpu.memref_slice %arg4[%add3A_135, %dma_start3A_138] : memref<32768x128xf32, #tpu.memory_space<hbm>> -> memref<128x128xf32, #tpu.memory_space<hbm>>
    tpu.enqueue_dma source(%arg10 : memref<128x128xf32, #tpu.memory_space<vmem>>) target(%dma_start3A_139 : memref<128x128xf32, #tpu.memory_space<hbm>>) target_semaphore(%arg22 : memref<!tpu.dma_semaphore, #tpu.memory_space<semaphore_mem>>)
    %dma_wait3A_140 = arith.constant 5 : i32
    %dma_wait3A_141 = arith.constant 0 : i32
    %dma_wait3A_142 = tpu.memref_slice %arg5[%dma_wait3A_140, %dma_wait3A_141] : memref<8x128xi32, #tpu.memory_space<vmem>> -> memref<1x128xi32, #tpu.memory_space<vmem>>
    %dma_wait3A_143 = tpu.memref_squeeze %dma_wait3A_142 : memref<1x128xi32, #tpu.memory_space<vmem>> -> memref<128xi32, #tpu.memory_space<vmem>>
    %dma_wait3A_144 = arith.constant 0 : i32
    %dma_wait3A_145 = arith.constant 0 : i32
    %dma_wait3A_146 = tpu.memref_slice %arg2[%dma_wait3A_144, %dma_wait3A_145] : memref<1024x128xf32, #tpu.memory_space<hbm>> -> memref<1024x128xf32, #tpu.memory_space<hbm>>
    tpu.wait_indirect_dma semaphore(%arg17 : memref<!tpu.dma_semaphore, #tpu.memory_space<semaphore_mem>>) src(%dma_wait3A_146 : memref<1024x128xf32, #tpu.memory_space<hbm>>) dst(%arg11 : memref<128x128xf32, #tpu.memory_space<vmem>>)
    %mul3A_147 = arith.constant 1024 : i32
    %mul3A_148 = arith.muli %add3A, %mul3A_147 : i32
    %add3A_149 = arith.constant 640 : i32
    %add3A_150 = arith.addi %mul3A_148, %add3A_149 : i32
    %dma_start3A_151 = arith.constant 0 : i32
    %dma_start3A_152 = tpu.memref_slice %arg4[%add3A_150, %dma_start3A_151] : memref<32768x128xf32, #tpu.memory_space<hbm>> -> memref<128x128xf32, #tpu.memory_space<hbm>>
    %dma_start3A_153 = arith.constant 0 : i32
    %dma_start3A_154 = tpu.memref_slice %arg4[%add3A_150, %dma_start3A_153] : memref<32768x128xf32, #tpu.memory_space<hbm>> -> memref<128x128xf32, #tpu.memory_space<hbm>>
    tpu.enqueue_dma source(%arg11 : memref<128x128xf32, #tpu.memory_space<vmem>>) target(%dma_start3A_154 : memref<128x128xf32, #tpu.memory_space<hbm>>) target_semaphore(%arg23 : memref<!tpu.dma_semaphore, #tpu.memory_space<semaphore_mem>>)
    %dma_wait3A_155 = arith.constant 6 : i32
    %dma_wait3A_156 = arith.constant 0 : i32
    %dma_wait3A_157 = tpu.memref_slice %arg5[%dma_wait3A_155, %dma_wait3A_156] : memref<8x128xi32, #tpu.memory_space<vmem>> -> memref<1x128xi32, #tpu.memory_space<vmem>>
    %dma_wait3A_158 = tpu.memref_squeeze %dma_wait3A_157 : memref<1x128xi32, #tpu.memory_space<vmem>> -> memref<128xi32, #tpu.memory_space<vmem>>
    %dma_wait3A_159 = arith.constant 0 : i32
    %dma_wait3A_160 = arith.constant 0 : i32
    %dma_wait3A_161 = tpu.memref_slice %arg2[%dma_wait3A_159, %dma_wait3A_160] : memref<1024x128xf32, #tpu.memory_space<hbm>> -> memref<1024x128xf32, #tpu.memory_space<hbm>>
    tpu.wait_indirect_dma semaphore(%arg12 : memref<!tpu.dma_semaphore, #tpu.memory_space<semaphore_mem>>) src(%dma_wait3A_161 : memref<1024x128xf32, #tpu.memory_space<hbm>>) dst(%arg6 : memref<128x128xf32, #tpu.memory_space<vmem>>)
    %mul3A_162 = arith.constant 1024 : i32
    %mul3A_163 = arith.muli %add3A, %mul3A_162 : i32
    %add3A_164 = arith.constant 768 : i32
    %add3A_165 = arith.addi %mul3A_163, %add3A_164 : i32
    %dma_start3A_166 = arith.constant 0 : i32
    %dma_start3A_167 = tpu.memref_slice %arg4[%add3A_165, %dma_start3A_166] : memref<32768x128xf32, #tpu.memory_space<hbm>> -> memref<128x128xf32, #tpu.memory_space<hbm>>
    %dma_start3A_168 = arith.constant 0 : i32
    %dma_start3A_169 = tpu.memref_slice %arg4[%add3A_165, %dma_start3A_168] : memref<32768x128xf32, #tpu.memory_space<hbm>> -> memref<128x128xf32, #tpu.memory_space<hbm>>
    tpu.enqueue_dma source(%arg6 : memref<128x128xf32, #tpu.memory_space<vmem>>) target(%dma_start3A_169 : memref<128x128xf32, #tpu.memory_space<hbm>>) target_semaphore(%arg18 : memref<!tpu.dma_semaphore, #tpu.memory_space<semaphore_mem>>)
    %dma_wait3A_170 = arith.constant 7 : i32
    %dma_wait3A_171 = arith.constant 0 : i32
    %dma_wait3A_172 = tpu.memref_slice %arg5[%dma_wait3A_170, %dma_wait3A_171] : memref<8x128xi32, #tpu.memory_space<vmem>> -> memref<1x128xi32, #tpu.memory_space<vmem>>
    %dma_wait3A_173 = tpu.memref_squeeze %dma_wait3A_172 : memref<1x128xi32, #tpu.memory_space<vmem>> -> memref<128xi32, #tpu.memory_space<vmem>>
    %dma_wait3A_174 = arith.constant 0 : i32
    %dma_wait3A_175 = arith.constant 0 : i32
    %dma_wait3A_176 = tpu.memref_slice %arg2[%dma_wait3A_174, %dma_wait3A_175] : memref<1024x128xf32, #tpu.memory_space<hbm>> -> memref<1024x128xf32, #tpu.memory_space<hbm>>
    tpu.wait_indirect_dma semaphore(%arg13 : memref<!tpu.dma_semaphore, #tpu.memory_space<semaphore_mem>>) src(%dma_wait3A_176 : memref<1024x128xf32, #tpu.memory_space<hbm>>) dst(%arg7 : memref<128x128xf32, #tpu.memory_space<vmem>>)
    %mul3A_177 = arith.constant 1024 : i32
    %mul3A_178 = arith.muli %add3A, %mul3A_177 : i32
    %add3A_179 = arith.constant 896 : i32
    %add3A_180 = arith.addi %mul3A_178, %add3A_179 : i32
    %dma_start3A_181 = arith.constant 0 : i32
    %dma_start3A_182 = tpu.memref_slice %arg4[%add3A_180, %dma_start3A_181] : memref<32768x128xf32, #tpu.memory_space<hbm>> -> memref<128x128xf32, #tpu.memory_space<hbm>>
    %dma_start3A_183 = arith.constant 0 : i32
    %dma_start3A_184 = tpu.memref_slice %arg4[%add3A_180, %dma_start3A_183] : memref<32768x128xf32, #tpu.memory_space<hbm>> -> memref<128x128xf32, #tpu.memory_space<hbm>>
    tpu.enqueue_dma source(%arg7 : memref<128x128xf32, #tpu.memory_space<vmem>>) target(%dma_start3A_184 : memref<128x128xf32, #tpu.memory_space<hbm>>) target_semaphore(%arg19 : memref<!tpu.dma_semaphore, #tpu.memory_space<semaphore_mem>>)
    %dma_wait3A_185 = arith.constant 0 : i32
    %dma_wait3A_186 = tpu.memref_slice %arg4[%add3A_94, %dma_wait3A_185] : memref<32768x128xf32, #tpu.memory_space<hbm>> -> memref<128x128xf32, #tpu.memory_space<hbm>>
    %dma_wait3A_187 = arith.constant 0 : i32
    %dma_wait3A_188 = tpu.memref_slice %arg4[%add3A_94, %dma_wait3A_187] : memref<32768x128xf32, #tpu.memory_space<hbm>> -> memref<128x128xf32, #tpu.memory_space<hbm>>
    tpu.wait_dma2 semaphore(%arg20 : memref<!tpu.dma_semaphore, #tpu.memory_space<semaphore_mem>>) src(%arg8 : memref<128x128xf32, #tpu.memory_space<vmem>>) dst(%dma_wait3A_188 : memref<128x128xf32, #tpu.memory_space<hbm>>)
    %dma_wait3A_189 = arith.constant 0 : i32
    %dma_wait3A_190 = tpu.memref_slice %arg4[%add3A_120, %dma_wait3A_189] : memref<32768x128xf32, #tpu.memory_space<hbm>> -> memref<128x128xf32, #tpu.memory_space<hbm>>
    %dma_wait3A_191 = arith.constant 0 : i32
    %dma_wait3A_192 = tpu.memref_slice %arg4[%add3A_120, %dma_wait3A_191] : memref<32768x128xf32, #tpu.memory_space<hbm>> -> memref<128x128xf32, #tpu.memory_space<hbm>>
    tpu.wait_dma2 semaphore(%arg21 : memref<!tpu.dma_semaphore, #tpu.memory_space<semaphore_mem>>) src(%arg9 : memref<128x128xf32, #tpu.memory_space<vmem>>) dst(%dma_wait3A_192 : memref<128x128xf32, #tpu.memory_space<hbm>>)
    %dma_wait3A_193 = arith.constant 0 : i32
    %dma_wait3A_194 = tpu.memref_slice %arg4[%add3A_135, %dma_wait3A_193] : memref<32768x128xf32, #tpu.memory_space<hbm>> -> memref<128x128xf32, #tpu.memory_space<hbm>>
    %dma_wait3A_195 = arith.constant 0 : i32
    %dma_wait3A_196 = tpu.memref_slice %arg4[%add3A_135, %dma_wait3A_195] : memref<32768x128xf32, #tpu.memory_space<hbm>> -> memref<128x128xf32, #tpu.memory_space<hbm>>
    tpu.wait_dma2 semaphore(%arg22 : memref<!tpu.dma_semaphore, #tpu.memory_space<semaphore_mem>>) src(%arg10 : memref<128x128xf32, #tpu.memory_space<vmem>>) dst(%dma_wait3A_196 : memref<128x128xf32, #tpu.memory_space<hbm>>)
    %dma_wait3A_197 = arith.constant 0 : i32
    %dma_wait3A_198 = tpu.memref_slice %arg4[%add3A_150, %dma_wait3A_197] : memref<32768x128xf32, #tpu.memory_space<hbm>> -> memref<128x128xf32, #tpu.memory_space<hbm>>
    %dma_wait3A_199 = arith.constant 0 : i32
    %dma_wait3A_200 = tpu.memref_slice %arg4[%add3A_150, %dma_wait3A_199] : memref<32768x128xf32, #tpu.memory_space<hbm>> -> memref<128x128xf32, #tpu.memory_space<hbm>>
    tpu.wait_dma2 semaphore(%arg23 : memref<!tpu.dma_semaphore, #tpu.memory_space<semaphore_mem>>) src(%arg11 : memref<128x128xf32, #tpu.memory_space<vmem>>) dst(%dma_wait3A_200 : memref<128x128xf32, #tpu.memory_space<hbm>>)
    %dma_wait3A_201 = arith.constant 0 : i32
    %dma_wait3A_202 = tpu.memref_slice %arg4[%add3A_165, %dma_wait3A_201] : memref<32768x128xf32, #tpu.memory_space<hbm>> -> memref<128x128xf32, #tpu.memory_space<hbm>>
    %dma_wait3A_203 = arith.constant 0 : i32
    %dma_wait3A_204 = tpu.memref_slice %arg4[%add3A_165, %dma_wait3A_203] : memref<32768x128xf32, #tpu.memory_space<hbm>> -> memref<128x128xf32, #tpu.memory_space<hbm>>
    tpu.wait_dma2 semaphore(%arg18 : memref<!tpu.dma_semaphore, #tpu.memory_space<semaphore_mem>>) src(%arg6 : memref<128x128xf32, #tpu.memory_space<vmem>>) dst(%dma_wait3A_204 : memref<128x128xf32, #tpu.memory_space<hbm>>)
    %dma_wait3A_205 = arith.constant 0 : i32
    %dma_wait3A_206 = tpu.memref_slice %arg4[%add3A_180, %dma_wait3A_205] : memref<32768x128xf32, #tpu.memory_space<hbm>> -> memref<128x128xf32, #tpu.memory_space<hbm>>
    %dma_wait3A_207 = arith.constant 0 : i32
    %dma_wait3A_208 = tpu.memref_slice %arg4[%add3A_180, %dma_wait3A_207] : memref<32768x128xf32, #tpu.memory_space<hbm>> -> memref<128x128xf32, #tpu.memory_space<hbm>>
    tpu.wait_dma2 semaphore(%arg19 : memref<!tpu.dma_semaphore, #tpu.memory_space<semaphore_mem>>) src(%arg7 : memref<128x128xf32, #tpu.memory_space<vmem>>) dst(%dma_wait3A_208 : memref<128x128xf32, #tpu.memory_space<hbm>>)
    return
  }
}

module attributes {stable_mosaic.version = 14 : i64} {
  func.func @_tc_body(%arg0: i32, %arg1: memref<512x128xf32, #tpu.memory_space<vmem>>, %arg2: memref<1024x128xf32, #tpu.memory_space<vmem>>, %arg3: memref<1024x1xf32, #tpu.memory_space<vmem>>, %arg4: memref<1024x512xf32, #tpu.memory_space<vmem>>, %arg5: memref<1x1x512xi32, #tpu.memory_space<vmem>>, %arg6: memref<1x1xf32, #tpu.memory_space<smem>>) attributes {dimension_semantics = [#tpu.dimension_semantics<arbitrary>], iteration_bounds = array<i64: 64>, scalar_prefetch = 0 : i64, scratch_operands = 0 : i64, tpu.core_type = #tpu.core_type<tc>, window_params = [{transform_indices = @transform_0, window_bounds = array<i64: 512, 128>}, {pipeline_mode = #tpu.pipeline_mode<synchronous>, transform_indices = @transform_1, window_bounds = array<i64: 1024, 128>}, {pipeline_mode = #tpu.pipeline_mode<synchronous>, transform_indices = @transform_2, window_bounds = array<i64: 1024, 1>}, {pipeline_mode = #tpu.pipeline_mode<synchronous>, transform_indices = @transform_3, window_bounds = array<i64: 1024, 512>}, {transform_indices = @transform_4, window_bounds = array<i64: 1, 1, 512>}, {transform_indices = @transform_5, window_bounds = array<i64: 1, 1>}]} {
    %get3A = arith.constant 0 : index
    %get3A_0 = arith.constant 0 : index
    %get3A_1 = vector.load %arg1[%get3A, %get3A_0] : memref<512x128xf32, #tpu.memory_space<vmem>>, vector<512x128xf32>
    %get3A_2 = arith.constant 0 : index
    %get3A_3 = arith.constant 0 : index
    %get3A_4 = vector.load %arg2[%get3A_2, %get3A_3] : memref<1024x128xf32, #tpu.memory_space<vmem>>, vector<1024x128xf32>
    %dot_general3A = arith.constant dense<0.000000e+00> : vector<1024x512xf32>
    %dot_general3A_5 = tpu.matmul %get3A_4, %get3A_1, %dot_general3A {dimension_numbers = #tpu.dot_dimension_numbers<[1], [1], [0], [0], [0, 0, 1, 0], [], []>, transpose_lhs_hint = false} : vector<1024x128xf32>, vector<512x128xf32>, vector<1024x512xf32> -> vector<1024x512xf32>
    %mul3A = arith.mulf %get3A_1, %get3A_1 : vector<512x128xf32>
    %transpose3A = tpu.transpose %mul3A, [1, 0] : vector<512x128xf32> -> vector<128x512xf32>
    %slice3A = vector.extract_strided_slice %transpose3A {offsets = [0, 0], sizes = [8, 512], strides = [1, 1]} : vector<128x512xf32> to vector<8x512xf32>
    %slice3A_6 = vector.extract_strided_slice %transpose3A {offsets = [8, 0], sizes = [8, 512], strides = [1, 1]} : vector<128x512xf32> to vector<8x512xf32>
    %add3A = arith.addf %slice3A, %slice3A_6 : vector<8x512xf32>
    %slice3A_7 = vector.extract_strided_slice %transpose3A {offsets = [16, 0], sizes = [8, 512], strides = [1, 1]} : vector<128x512xf32> to vector<8x512xf32>
    %add3A_8 = arith.addf %add3A, %slice3A_7 : vector<8x512xf32>
    %slice3A_9 = vector.extract_strided_slice %transpose3A {offsets = [24, 0], sizes = [8, 512], strides = [1, 1]} : vector<128x512xf32> to vector<8x512xf32>
    %add3A_10 = arith.addf %add3A_8, %slice3A_9 : vector<8x512xf32>
    %slice3A_11 = vector.extract_strided_slice %transpose3A {offsets = [32, 0], sizes = [8, 512], strides = [1, 1]} : vector<128x512xf32> to vector<8x512xf32>
    %add3A_12 = arith.addf %add3A_10, %slice3A_11 : vector<8x512xf32>
    %slice3A_13 = vector.extract_strided_slice %transpose3A {offsets = [40, 0], sizes = [8, 512], strides = [1, 1]} : vector<128x512xf32> to vector<8x512xf32>
    %add3A_14 = arith.addf %add3A_12, %slice3A_13 : vector<8x512xf32>
    %slice3A_15 = vector.extract_strided_slice %transpose3A {offsets = [48, 0], sizes = [8, 512], strides = [1, 1]} : vector<128x512xf32> to vector<8x512xf32>
    %add3A_16 = arith.addf %add3A_14, %slice3A_15 : vector<8x512xf32>
    %slice3A_17 = vector.extract_strided_slice %transpose3A {offsets = [56, 0], sizes = [8, 512], strides = [1, 1]} : vector<128x512xf32> to vector<8x512xf32>
    %add3A_18 = arith.addf %add3A_16, %slice3A_17 : vector<8x512xf32>
    %slice3A_19 = vector.extract_strided_slice %transpose3A {offsets = [64, 0], sizes = [8, 512], strides = [1, 1]} : vector<128x512xf32> to vector<8x512xf32>
    %add3A_20 = arith.addf %add3A_18, %slice3A_19 : vector<8x512xf32>
    %slice3A_21 = vector.extract_strided_slice %transpose3A {offsets = [72, 0], sizes = [8, 512], strides = [1, 1]} : vector<128x512xf32> to vector<8x512xf32>
    %add3A_22 = arith.addf %add3A_20, %slice3A_21 : vector<8x512xf32>
    %slice3A_23 = vector.extract_strided_slice %transpose3A {offsets = [80, 0], sizes = [8, 512], strides = [1, 1]} : vector<128x512xf32> to vector<8x512xf32>
    %add3A_24 = arith.addf %add3A_22, %slice3A_23 : vector<8x512xf32>
    %slice3A_25 = vector.extract_strided_slice %transpose3A {offsets = [88, 0], sizes = [8, 512], strides = [1, 1]} : vector<128x512xf32> to vector<8x512xf32>
    %add3A_26 = arith.addf %add3A_24, %slice3A_25 : vector<8x512xf32>
    %slice3A_27 = vector.extract_strided_slice %transpose3A {offsets = [96, 0], sizes = [8, 512], strides = [1, 1]} : vector<128x512xf32> to vector<8x512xf32>
    %add3A_28 = arith.addf %add3A_26, %slice3A_27 : vector<8x512xf32>
    %slice3A_29 = vector.extract_strided_slice %transpose3A {offsets = [104, 0], sizes = [8, 512], strides = [1, 1]} : vector<128x512xf32> to vector<8x512xf32>
    %add3A_30 = arith.addf %add3A_28, %slice3A_29 : vector<8x512xf32>
    %slice3A_31 = vector.extract_strided_slice %transpose3A {offsets = [112, 0], sizes = [8, 512], strides = [1, 1]} : vector<128x512xf32> to vector<8x512xf32>
    %add3A_32 = arith.addf %add3A_30, %slice3A_31 : vector<8x512xf32>
    %slice3A_33 = vector.extract_strided_slice %transpose3A {offsets = [120, 0], sizes = [8, 512], strides = [1, 1]} : vector<128x512xf32> to vector<8x512xf32>
    %add3A_34 = arith.addf %add3A_32, %slice3A_33 : vector<8x512xf32>
    %slice3A_35 = vector.extract_strided_slice %add3A_34 {offsets = [0, 0], sizes = [4, 512], strides = [1, 1]} : vector<8x512xf32> to vector<4x512xf32>
    %slice3A_36 = vector.extract_strided_slice %add3A_34 {offsets = [4, 0], sizes = [4, 512], strides = [1, 1]} : vector<8x512xf32> to vector<4x512xf32>
    %add3A_37 = arith.addf %slice3A_35, %slice3A_36 : vector<4x512xf32>
    %slice3A_38 = vector.extract_strided_slice %add3A_37 {offsets = [0, 0], sizes = [2, 512], strides = [1, 1]} : vector<4x512xf32> to vector<2x512xf32>
    %slice3A_39 = vector.extract_strided_slice %add3A_37 {offsets = [2, 0], sizes = [2, 512], strides = [1, 1]} : vector<4x512xf32> to vector<2x512xf32>
    %add3A_40 = arith.addf %slice3A_38, %slice3A_39 : vector<2x512xf32>
    %slice3A_41 = vector.extract_strided_slice %add3A_40 {offsets = [0, 0], sizes = [1, 512], strides = [1, 1]} : vector<2x512xf32> to vector<1x512xf32>
    %slice3A_42 = vector.extract_strided_slice %add3A_40 {offsets = [1, 0], sizes = [1, 512], strides = [1, 1]} : vector<2x512xf32> to vector<1x512xf32>
    %add3A_43 = arith.addf %slice3A_41, %slice3A_42 : vector<1x512xf32>
    %get3A_44 = arith.constant 0 : index
    %get3A_45 = arith.constant 0 : index
    %get3A_46 = vector.load %arg3[%get3A_44, %get3A_45] : memref<1024x1xf32, #tpu.memory_space<vmem>>, vector<1024x1xf32>
    %add3A_47 = vector.broadcast %add3A_43 : vector<1x512xf32> to vector<1024x512xf32>
    %add3A_48 = arith.addf %add3A_47, %dot_general3A_5 : vector<1024x512xf32>
    %add3A_49 = vector.broadcast %get3A_46 : vector<1024x1xf32> to vector<1024x512xf32>
    %add3A_50 = arith.addf %add3A_48, %add3A_49 : vector<1024x512xf32>
    %max3A = arith.constant 0.000000e+00 : f32
    %max3A_51 = vector.broadcast %max3A : f32 to vector<1024x512xf32>
    %max3A_52 = arith.maximumf %add3A_50, %max3A_51 : vector<1024x512xf32>
    %sqrt3A = math.sqrt %max3A_52 : vector<1024x512xf32>
    %reduce_min3A = arith.constant dense<0x7F800000> : vector<512xf32>
    %reduce_min3A_53 = vector.multi_reduction <minimumf>, %sqrt3A, %reduce_min3A [0] : vector<1024x512xf32> to vector<512xf32>
    %broadcast_in_dim3A = vector.shape_cast %reduce_min3A_53 : vector<512xf32> to vector<1x512xf32>
    %get3A_54 = arith.constant 0 : index
    %get3A_55 = arith.constant 0 : index
    %get3A_56 = vector.load %arg4[%get3A_54, %get3A_55] : memref<1024x512xf32, #tpu.memory_space<vmem>>, vector<1024x512xf32>
    %eq3A = vector.broadcast %broadcast_in_dim3A : vector<1x512xf32> to vector<1024x512xf32>
    %eq3A_57 = arith.cmpf oeq, %sqrt3A, %eq3A : vector<1024x512xf32>
    %jit3A = arith.constant 1.024000e+03 : f32
    %broadcast_in_dim3A_58 = vector.broadcast %jit3A : f32 to vector<1024x512xf32>
    %select_n3A = arith.select %eq3A_57, %get3A_56, %broadcast_in_dim3A_58 : vector<1024x512xi1>, vector<1024x512xf32>
    %reduce_min3A_59 = arith.constant dense<0x7F800000> : vector<512xf32>
    %reduce_min3A_60 = vector.multi_reduction <minimumf>, %select_n3A, %reduce_min3A_59 [0] : vector<1024x512xf32> to vector<512xf32>
    %convert_element_type3A = arith.fptosi %reduce_min3A_60 : vector<512xf32> to vector<512xi32>
    %swap3A = arith.constant 0 : index
    %swap3A_61 = arith.constant 0 : index
    %swap3A_62 = arith.constant 0 : index
    %swap3A_63 = vector.load %arg5[%swap3A, %swap3A_61, %swap3A_62] : memref<1x1x512xi32, #tpu.memory_space<vmem>>, vector<1x1x512xi32>
    %swap3A_64 = vector.shape_cast %swap3A_63 : vector<1x1x512xi32> to vector<512xi32>
    %swap3A_65 = vector.shape_cast %convert_element_type3A : vector<512xi32> to vector<1x1x512xi32>
    tpu.vector_store %arg5[%swap3A, %swap3A_61, %swap3A_62], %swap3A_65 {strides = array<i32>} : memref<1x1x512xi32, #tpu.memory_space<vmem>>, vector<1x1x512xi32>,
    %squeeze3A = vector.shape_cast %broadcast_in_dim3A : vector<1x512xf32> to vector<512xf32>
    %mul3A_66 = arith.mulf %squeeze3A, %squeeze3A : vector<512xf32>
    %reduce_sum3A = vector.shape_cast %mul3A_66 : vector<512xf32> to vector<1x512xf32>
    %reduce_sum3A_67 = arith.constant dense<0.000000e+00> : vector<1xf32>
    %reduce_sum3A_68 = vector.multi_reduction <add>, %reduce_sum3A, %reduce_sum3A_67 [1] : vector<1x512xf32> to vector<1xf32>
    %reduce_sum3A_69 = vector.shape_cast %reduce_sum3A_68 : vector<1xf32> to vector<1x1xf32>
    %reduce_sum3A_70 = vector.extract %reduce_sum3A_69[0, 0] : f32 from vector<1x1xf32>
    %eq3A_71 = arith.constant 0 : i32
    %eq3A_72 = arith.cmpi eq, %arg0, %eq3A_71 : i32
    %convert_element_type3A_73 = arith.extui %eq3A_72 : i1 to i32
    %cond3A = arith.constant 0 : i32
    %cond3A_74 = arith.cmpi ne, %convert_element_type3A_73, %cond3A : i32
    scf.if %cond3A_74 {
      %swap3A_82 = arith.constant 0.000000e+00 : f32
      %swap3A_83 = arith.constant 0 : index
      %swap3A_84 = arith.constant 0 : index
      %swap3A_85 = memref.load %arg6[%swap3A_83, %swap3A_84] : memref<1x1xf32, #tpu.memory_space<smem>>
      memref.store %swap3A_82, %arg6[%swap3A_83, %swap3A_84] : memref<1x1xf32, #tpu.memory_space<smem>>
    } else {
    }
    %get3A_75 = arith.constant 0 : index
    %get3A_76 = arith.constant 0 : index
    %get3A_77 = memref.load %arg6[%get3A_75, %get3A_76] : memref<1x1xf32, #tpu.memory_space<smem>>
    %add3A_78 = arith.addf %get3A_77, %reduce_sum3A_70 : f32
    %swap3A_79 = arith.constant 0 : index
    %swap3A_80 = arith.constant 0 : index
    %swap3A_81 = memref.load %arg6[%swap3A_79, %swap3A_80] : memref<1x1xf32, #tpu.memory_space<smem>>
    memref.store %add3A_78, %arg6[%swap3A_79, %swap3A_80] : memref<1x1xf32, #tpu.memory_space<smem>>
    return
  }
  func.func @transform_0(%arg0: i32) -> (i32, i32) {
    %c0_i32 = arith.constant 0 : i32
    %c0_i32_0 = arith.constant 0 : i32
    return %arg0, %c0_i32 : i32, i32
  }
  func.func @transform_1(%arg0: i32) -> (i32, i32) {
    %c0_i32 = arith.constant 0 : i32
    %c0_i32_0 = arith.constant 0 : i32
    %c0_i32_1 = arith.constant 0 : i32
    return %c0_i32, %c0_i32_0 : i32, i32
  }
  func.func @transform_2(%arg0: i32) -> (i32, i32) {
    %c0_i32 = arith.constant 0 : i32
    %c0_i32_0 = arith.constant 0 : i32
    %c0_i32_1 = arith.constant 0 : i32
    return %c0_i32, %c0_i32_0 : i32, i32
  }
  func.func @transform_3(%arg0: i32) -> (i32, i32) {
    %c0_i32 = arith.constant 0 : i32
    %c0_i32_0 = arith.constant 0 : i32
    %c0_i32_1 = arith.constant 0 : i32
    return %c0_i32, %c0_i32_0 : i32, i32
  }
  func.func @transform_4(%arg0: i32) -> (i32, i32, i32) {
    %c0_i32 = arith.constant 0 : i32
    %c0_i32_0 = arith.constant 0 : i32
    %c0_i32_1 = arith.constant 0 : i32
    return %arg0, %c0_i32, %c0_i32_0 : i32, i32, i32
  }
  func.func @transform_5(%arg0: i32) -> (i32, i32) {
    %c0_i32 = arith.constant 0 : i32
    %c0_i32_0 = arith.constant 0 : i32
    %c0_i32_1 = arith.constant 0 : i32
    return %c0_i32, %c0_i32_0 : i32, i32
  }
}

</mosaic_0001>

<sc_bundles>
// kernel: kernel.4.cloned.1.call-start
scs
__scs_entry_jumppad:
0x0: {  	(pc) =	sbr.rel $0x88, $3  }
0x1: {  	(tag) =	ssettag $0x0;
	lr =	simm.s32 $0x1  }
0x2: {  	[smem:$0x3F9F] =	sst lr;
	_ =	strace $0xD0000000  }
0x3: {  	_ = 	snop  }
0x4: {  	_ = 	snop  }
0x5: {  	_ = 	snop  }
0x6: {  	_ = 	snop  }
0x7: {  	_ = 	snop  }
__scs_overlays_trampoline_lowered:
0x8: {  	[smem:$0x3FAE] =	sst s0  }
0x9: {  	[smem:$0x3FAF] =	sst s1  }
0xa: {  	[smem:$0x3FB0] =	sst s2  }
0xb: {  	[smem:$0x3FB1] =	sst s3  }
0xc: {  	[smem:$0x3FB2] =	sst s4  }
0xd: {  	[smem:$0x3FB3] =	sst s5  }
0xe: {  	[smem:$0x3FB4] =	sst s6  }
0xf: {  	[smem:$0x3FB5] =	sst s7  }
0x10: {  	[smem:$0x3FB6] =	sst s8  }
0x11: {  	[smem:$0x3FB7] =	sst s9;
	s0 =	simm.s32 @!p0 $0x0  }
0x12: {  	s1 =	sld [smem:$0x3F9D];
	s0 =	simm.s32 @p0 $0x1  }
0x13: {  	[smem:$0x3FB8] =	sst s0;
	s0 =	simm.s32 @!p1 $0x0  }
0x14: {  	s2 =	sld [smem:$0x3F9C];
	s0 =	simm.s32 @p1 $0x1  }
0x15: {  	[smem:$0x3FB9] =	sst s0;
	s0 =	simm.s32 @!p2 $0x0  }
0x16: {  	s3 =	sld [smem:$0x3FDB];
	s0 =	simm.s32 @p2 $0x1  }
0x17: {  	s4 =	simm.s32 $0x1BF5;
	[smem:$0x3FBB] =	sst s0  }
0x18: {  	s0 =	sld [smem:$0x3F9E];
	_ =	swait.ge [sflag:s4], $0x0  }
0x19: {  	s7 =	sld [smem:$0x3F9F]  }
0x1a: {  	s8 =	sadd.s32 $0xFFFFE003, lr  }
0x1b: {  	s9 =	sadd.s32 $0xFFFFFEF7, lr;
	s5 =	simm.s32 $0xFFFFFFFF;
	p2 =	slt.u32 s8, $0xFFFFF086  }
0x1c: {  	p1 =	slt.u32 s9, $0xF7A;
	s5 =	simm.s32 @!p2 $0x0  }
0x1d: {  	s5 =	simm.s32 @p1 $0x1;
	p0 =	seq.s32 s7, s2  }
0x1e: {  	s7 =	smul.u32 @!p0 $0xF7A, s2;
	p2 =	seq.s32 @!p0 s5, $0x0  }
0x1f: {  	s9 =	smul.u32 $0xF7A, s1;
	s8 =	simm.s32 @!p0 $0x1BF5;
	p2 =	por !p2, p0  }
0x20: {  	[sflag:s8] =	ssyncset.s32 @!p0 $0xFFFFF086;
	s6 =	sadd.s32 @!p0 s3, s7;
	s7 =	simm.s32 @!p0 $0x108  }
0x21: {  	s3 =	sadd.s32 s3, s9;
	s6 =	sadd.s32 @!p0 $0x88, s6;
	s7 =	simm.s32 @p2 $0x1082  }
0x22: {  	[simem:s7], [sflag:s8] =	dma.local @!p0 [hbm:s6], $0xF7A  }
0x23: {  	s9 =	sor.u32 $0xD0000000, s2;
	s6 =	simm.s32 $0x108;
	_ =	swait.ge @!p0 [sflag:s8], $0x0  }
0x24: {  	s3 =	sadd.s32 $0x88, s3;
	s6 =	simm.s32 @!p1 $0x1082;
	[sflag:s4] =	ssyncset.s32 $0xFFFFF086  }
0x25: {  	[simem:s6], [sflag:s4] =	dma.local [hbm:s3], $0xF7A  }
0x26: {  	[smem:$0x3F9F] =	sst s1;
	(tag) =	ssettag s2;
	_ =	strace s9  }
0x27: {  	s1 =	sld [smem:$0x3FAF]  }
0x28: {  	s2 =	sld [smem:$0x3FB0]  }
0x29: {  	s4 =	sld [smem:$0x3FB2]  }
0x2a: {  	p0 =	seq.s32 s5, $0x0;
	s5 =	sld [smem:$0x3FB3]  }
0x2b: {  	s6 =	sld [smem:$0x3FB4]  }
0x2c: {  	s7 =	sld [smem:$0x3FB5]  }
0x2d: {  	s3 =	simm.s32 $0x108;
	s8 =	sld [smem:$0x3FB6]  }
0x2e: {  	s3 =	simm.s32 @!p0 $0x1082;
	s9 =	sld [smem:$0x3FB7]  }
0x2f: {  	lr =	sadd.s32 s0, s3;
	s0 =	sld [smem:$0x3FAE]  }
0x30: {  	s3 =	sld [smem:$0x3FB1]  }
0x31: {  	[smem:$0x3FBA] =	sst s10  }
0x32: {  	s10 =	sld [smem:$0x3FB8];
	_ =	sdelay $0x3  }
0x33: {  	p0 =	seq.s32 s10, $0x1;
	s10 =	sld [smem:$0x3FBA];
	_ =	sdelay $0x3  }
0x34: {  	[smem:$0x3FBA] =	sst s10  }
0x35: {  	s10 =	sld [smem:$0x3FB9];
	_ =	sdelay $0x3  }
0x36: {  	p1 =	seq.s32 s10, $0x1;
	s10 =	sld [smem:$0x3FBA];
	_ =	sdelay $0x3  }
0x37: {  	[smem:$0x3FBA] =	sst s10  }
0x38: {  	s10 =	sld [smem:$0x3FBB]  }
0x39: {  	_ = 	snop;
	(pc) =	sbr.ind lr, $3  }
0x3a: {  	_ = 	snop  }
0x3b: {  	_ = 	snop  }
0x3c: {  	p2 =	seq.s32 s10, $0x1;
	s10 =	sld [smem:$0x3FBA]  }
0x3d: {  	_ =	shalt  }
0x3e: {  	_ =	shalt  }
0x3f: {  	_ =	shalt  }
0x40: {  	_ =	shalt  }
0x41: {  	_ =	shalt  }
0x42: {  	_ =	shalt  }
0x43: {  	_ =	shalt  }
0x44: {  	_ =	shalt  }
0x45: {  	_ =	shalt  }
0x46: {  	_ =	shalt  }
0x47: {  	_ =	shalt  }
0x48: {  	_ =	shalt  }
0x49: {  	_ =	shalt  }
0x4a: {  	_ =	shalt  }
0x4b: {  	_ =	shalt  }
0x4c: {  	_ =	shalt  }
0x4d: {  	_ =	shalt  }
0x4e: {  	_ =	shalt  }
0x4f: {  	_ =	shalt  }
0x50: {  	_ =	shalt  }
0x51: {  	_ =	shalt  }
0x52: {  	_ =	shalt  }
0x53: {  	_ =	shalt  }
0x54: {  	_ =	shalt  }
0x55: {  	_ =	shalt  }
0x56: {  	_ =	shalt  }
0x57: {  	_ =	shalt  }
0x58: {  	_ =	shalt  }
0x59: {  	_ =	shalt  }
0x5a: {  	_ =	shalt  }
0x5b: {  	_ =	shalt  }
0x5c: {  	_ =	shalt  }
0x5d: {  	_ =	shalt  }
0x5e: {  	_ =	shalt  }
0x5f: {  	_ =	shalt  }
0x60: {  	_ =	shalt  }
0x61: {  	_ =	shalt  }
0x62: {  	_ =	shalt  }
0x63: {  	_ =	shalt  }
0x64: {  	_ =	shalt  }
0x65: {  	_ =	shalt  }
0x66: {  	_ =	shalt  }
0x67: {  	_ =	shalt  }
0x68: {  	_ =	shalt  }
0x69: {  	_ =	shalt  }
0x6a: {  	_ =	shalt  }
0x6b: {  	_ =	shalt  }
0x6c: {  	_ =	shalt  }
0x6d: {  	_ =	shalt  }
0x6e: {  	_ =	shalt  }
0x6f: {  	_ =	shalt  }
0x70: {  	_ =	shalt  }
0x71: {  	_ =	shalt  }
0x72: {  	_ =	shalt  }
0x73: {  	_ =	shalt  }
0x74: {  	_ =	shalt  }
0x75: {  	_ =	shalt  }
0x76: {  	_ =	shalt  }
0x77: {  	_ =	shalt  }
0x78: {  	_ =	shalt  }
0x79: {  	_ =	shalt  }
0x7a: {  	_ =	shalt  }
0x7b: {  	_ =	shalt  }
0x7c: {  	_ =	shalt  }
0x7d: {  	_ =	shalt  }
0x7e: {  	_ =	shalt  }
0x7f: {  	_ =	shalt  }
0x80: {  	_ =	shalt  }
0x81: {  	_ =	shalt  }
0x82: {  	_ =	shalt  }
0x83: {  	_ =	shalt  }
0x84: {  	_ =	shalt  }
0x85: {  	_ =	shalt  }
0x86: {  	_ =	shalt  }
0x87: {  	_ =	shalt  }
.Lfunc_end0:
.L_simem_size_0:
called_computation_lowered:
.L_overlay_start_0:
0x88: {  	s2 =	sld [smem:$0x3FD9]  }
0x89: {  	s3 =	sld [smem:$0x3FFE];
	_ =	sdelay $0x1  }
0x8a: {  	s1 =	srdreg.scid  }
0x8b: {  	s0 =	sand.u32 $0x1, s1  }
0x8c: {  	s15 =	sshll.u32 s0, $0xA;
	s2 =	sadd.s32 s3, s2  }
0x8d: {  	s2 =	sadd.s32 s2, s15  }
0x8e: {  	[smem:$0x3FC6] =	sst s2  }
0x8f: {  	_ = 	snop  }
0x90: {  	s2 =	sld [smem:$0x3FD0];
	_ =	sdelay $0x2  }
0x91: {  	s4 =	simm.s32 $0xA;
	s5 =	simm.s32 $0x10;
	s16 =	sld [smem:$0x3FC8]  }
0x92: {  	[smem:s5], [sflag:s4] =	dma.local [hbm:s2], $0x1  }
0x93: {  	_ =	swait.eq [sflag:s4], $0x1  }
0x94: {  	[sflag:s4] =	ssyncset.done $0x0  }
0x95: {  	s17 =	sld [smem:$0x10];
	[sflag:s4] =	ssyncadd.s32 $0xFFFFFFFF  }
0x96: {  	s18 =	sld [smem:$0x12];
	(tm) =	ssettm $0x1  }
0x97: {  	s19 =	sld [smem:$0x3FFB];
	_ =	sdelay $0x3  }
0x98: {  	_ =	strace s19  }
0x99: {  	s5 =	sld [smem:$0x3FFC];
	_ =	sdelay $0x3  }
0x9a: {  	_ =	strace s5  }
0x9b: {  	s5 =	sld [smem:$0x3FFD];
	_ =	sdelay $0x3  }
0x9c: {  	_ =	strace s5  }
0x9d: {  	_ =	strace $0x8FFFFFFF  }
0x9e: {  	s20 =	sld [smem:$0x3FDB];
	_ =	sdelay $0x1  }
0x9f: {  	s6 =	simm.s32 $_scs_section_size  }
0xa0: {  	s7 =	simm.s32 $_size__tile_overlayer_lowered;
	s8 =	simm.s32 $_tile_overlayer_lowered  }
0xa1: {  	s23 =	simm.s32 $0x1BFF;
	s22 =	sshll.u32 s8, $0x1;
	s5 =	sadd.s32 s6, s20  }
0xa2: {  	s9 =	simm.s32 $0x0;
	s21 =	sshll.u32 s7, $0x1;
	s7 =	sadd.s32 s22, s5  }
0xa3: {  	[timem:s9], [sflag:s23] =	dma.local [hbm:s7], s21  }
0xa4: {  	_ =	swait.ge [sflag:s23], s21  }
0xa5: {  	s6 =	ssub.s32 $0x0, s21;
	[sflag:s23] =	ssyncset.done $0x0  }
0xa6: {  	[sflag:s23] =	ssyncadd.s32 s6;
	_ =	sdelay $0x1  }
0xa7: {  	s24 =	simm.s32 $0x1B8B  }
0xa8: {  	_ =	swait.ge [sflag:s24], $0x1  }
0xa9: {  	[sflag:s24] =	ssyncset.done $0x0  }
0xaa: {  	s25 =	simm.s32 $0x1B8E;
	[sflag:s24] =	ssyncadd.s32 $0xFFFFFFFF  }
0xab: {  	s26 =	simm.s32 $execute0_lowered;
	[smem:$0x3FD2] =	sst s25  }
0xac: {  	s6 =	sshll.u32 s26, $0x1;
	_ =	strace $0x80000046;
	[dreg:$0x1] =	wrdreg $0xFFFFFFFF  }
0xad: {  	s28 =	simm.s32 $_size_execute0_lowered;
	s5 =	sadd.s32 s5, s6;
	[dreg:$0x0] =	wrdreg $0x0  }
0xae: {  	s6 =	sshll.u32 s28, $0x1;
	[dreg:$0x2] =	wrdreg s5  }
0xaf: {  	[dreg:$0x3] =	wrdreg s6  }
0xb0: {  	[dreg:$0x4] =	wrdreg $0xC0  }
0xb1: {  	_ =	task [dreg:s9], $0x5FFFF  }
0xb2: {  	[dreg:$0x1] =	wrdreg $0xFFFFFFFF  }
0xb3: {  	[dreg:$0x0] =	wrdreg $0x60  }
0xb4: {  	[dreg:$0x2] =	wrdreg s16  }
0xb5: {  	[dreg:$0x3] =	wrdreg s18  }
0xb6: {  	[dreg:$0x4] =	wrdreg s17  }
0xb7: {  	[dreg:$0x5] =	wrdreg $0x9  }
0xb8: {  	_ =	task.clear_ibuf [dreg:s9], $0x6FFFF;
	_ =	strace $0x90000046  }
0xb9: {  	s29 =	simm.s32 $0x9;
	_ =	strace $0x80000048  }
0xba: {  	_ =	swait.ge [sflag:s29], $0x1  }
0xbb: {  	[sflag:s29] =	ssyncadd.s32 $0xFFFFFFFF  }
0xbc: {  	_ =	strace $0x90000048  }
0xbd: {  	_ =	sfence  }
0xbe: {  	s30 =	sld [smem:$0x0];
	_ =	sdelay $0x2  }
0xbf: {  	s31 =	sshll.u32 s1, $0xD;
	s1 =	sshrl.u32 s1, $0x2  }
0xc0: {  	s3 =	sand.u32 $0x4000, s31;
	s1 =	sadd.s32 s1, s30  }
0xc1: {  	s0 =	sor.u32 s3, s0;
	s1 =	sshll.u32 s1, $0x11  }
0xc2: {  	s0 =	sor.u32 s1, s0  }
0xc3: {  	s0 =	sadd.s32 $0x8F2B, s0  }
0xc4: {  	[sflag:s0] =	ssyncadd.remote.s32 $0x1  }
0xc5: {  	_ =	sfence.sel $0xFFFF  }
0xc6: {  	[dreg:$0x0] =	wrdreg $0xFFFFFFFF;
	(pc) =	sbr.abs _section_cstart, $3  }
0xc7: {  	[dreg:$0x1] =	wrdreg $0xFFFFFFFF  }
0xc8: {  	_ =	task.clear_ibuf [dreg:s9], $0x2FFFF;
	_ =	strace $0x9FFFFFFF  }
0xc9: {  	(tm) =	ssettm $0x7FFFFFFF  }
tec
execute0_lowered:
.L_overlay_start_1:
0x0: {  	(tag) =	ssettag $0x1  }
0x1: {  	s3 =	rddreg [dreg:$0x0]  }
0x2: {  	s0 =	rddreg [dreg:$0x1];
	s1 =	srdreg.scid  }
0x3: {  	s2 =	stileid.u32;
	s4 =	rddreg [dreg:$0x2]  }
0x4: {  	s26 =	simm.s32 $0xD;
	s7 =	simm.s32 $0x400;
	s28 =	simm.s32 $0x100  }
0x5: {  	s29 =	simm.s32 $0x180;
	s30 =	simm.s32 $0x200;
	s31 =	simm.s32 $0x280  }
0x6: {  	s10 =	simm.s32 $0x1;
	s8 =	simm.s32 $0x2;
	s25 =	simm.s32 $0x300  }
0x7: {  	s24 =	simm.s32 $0x3;
	s23 =	simm.s32 $0x380;
	s22 =	simm.s32 $0x4  }
0x8: {  	p0 =	por $0x0, $0x0;
	s11 =	simm.s32 $0xB;
	s9 =	simm.s32 $0xC  }
0x9: {  	s1 =	sand.u32 $0x1, s1;
	s5 =	sshll.u32 s2, $0x1;
	s2 =	simm.s32 $0x0  }
0xa: {  	s5 =	sor.u32 s1, s5;
	[smem:$0x7FF] =	sst s2;
	s1 =	ssub.s32 $0x2, s1  }
0xb: {  	s6 =	sshll.u32 s5, $0x7;
	s5 =	sshll.u32 s5, $0xE;
	_ =	strace $0x80000047  }
0xc: {  	s18 =	sshrl.u32 s1, $0x1;
	s0 =	sadd.s32 s0, s6;
	s15 =	sadd.s32 s4, s5  }
0xd: {  	s1 =	ssub.s32 s1, s18;
	[dreg:$0x4] =	wrdreg s0;
	s12 =	sadd.s32 $0x800, s15  }
0xe: {  	s6 =	simm.s32 $0x4400;
	s13 =	sadd.s32 $0x1000, s15;
	[dreg:$0x5] =	wrdreg s12  }
0xf: {  	s18 =	simm.s32 $0xC400;
	s14 =	sadd.s32 $0x1800, s15;
	[dreg:$0x6] =	wrdreg s13  }
0x10: {  	s4 =	simm.s32 $0x7;
	s16 =	sadd.s32 $0x2000, s15;
	[dreg:$0x7] =	wrdreg s14  }
0x11: {  	s17 =	sadd.s32 $0x2800, s15;
	s21 =	smax.u32 s1, $0x1;
	[dreg:$0x8] =	wrdreg s16  }
0x12: {  	s19 =	sadd.s32 $0x3000, s15;
	[dreg:$0x9] =	wrdreg s17;
	p1 =	sne.s32 s21, $0x1  }
.Ltmp0:
0x13: {  	s20 =	sadd.s32 $0x3800, s15;
	[dreg:$0xa] =	wrdreg s19;
	(pc) =	sbr.rel @!p1 .LBB2_3-.Ltmp0, $4  }
0x14: {  	s5 =	simm.s32 $0x8;
	[dreg:$0xb] =	wrdreg s20;
	s17 =	simm.s32 $0x80  }
0x15: {  	s19 =	simm.s32 $0x8400;
	s16 =	simm.s32 $0x10400;
	s13 =	simm.s32 $0x14400  }
0x16: {  	s1 =	sadd.s32 $0xFFFFFFFF, s21;
	s21 =	simm.s32 $0x5;
	s20 =	simm.s32 $0x6  }
0x17: {  	s14 =	simm.s32 $0x9;
	s12 =	simm.s32 $0xA;
	s0 =	rddreg [dreg:$0x4]  }
0x18: {  	[tilespmem:s2], [sflag:$0xD] =	stream.linear.gather [hbm4b:s0+s2], $0x400, $0x38;
	[tilespmem:$0x18400] =	vst v63  }
0x19: {  	_ =	swait.ge [sflag:s26], $0x400  }
0x1a: {  	[sflag:s26] =	ssyncset.done $0x0  }
0x1b: {  	[sflag:s26] =	ssyncadd.s32 $0xFFFFFC00  }
0x1c: {  	[tilespmem:s7], [sflag:$0x1] =	stream.indirect.gather [hbm4b:s3+s17], $0x80, s2, s17, $0xb8;
	[tilespmem:$0x18400] =	vst v63  }
0x1d: {  	_ = 	snop  }
0x1e: {  	[tilespmem:s6], [sflag:$0x2] =	stream.indirect.gather [hbm4b:s3+s17], $0x80, s17, s17, $0xb8;
	[tilespmem:$0x18400] =	vst v63  }
0x1f: {  	_ = 	snop  }
0x20: {  	[tilespmem:s19], [sflag:$0x3] =	stream.indirect.gather [hbm4b:s3+s17], $0x80, s28, s17, $0xb8;
	[tilespmem:$0x18400] =	vst v63  }
0x21: {  	_ = 	snop  }
0x22: {  	[tilespmem:s18], [sflag:$0x4] =	stream.indirect.gather [hbm4b:s3+s17], $0x80, s29, s17, $0xb8;
	[tilespmem:$0x18400] =	vst v63  }
0x23: {  	_ = 	snop  }
0x24: {  	[tilespmem:s16], [sflag:$0x5] =	stream.indirect.gather [hbm4b:s3+s17], $0x80, s30, s17, $0xb8;
	[tilespmem:$0x18400] =	vst v63  }
0x25: {  	_ = 	snop  }
0x26: {  	[tilespmem:s13], [sflag:$0x6] =	stream.indirect.gather [hbm4b:s3+s17], $0x80, s31, s17, $0xb8;
	[tilespmem:$0x18400] =	vst v63  }
0x27: {  	_ =	swait.ge [sflag:s10], $0x4000  }
0x28: {  	[sflag:s10] =	ssyncset.done $0x0  }
0x29: {  	[sflag:s10] =	ssyncadd.s32 $0xFFFFC000  }
0x2a: {  	[hbm4b:s15+s2] =	stream.linear.scatter [tilespmem:s7], [sflag:$0x7], $0x4000, $0x38;
	[tilespmem:$0x18400] =	vst v63  }
0x2b: {  	_ =	swait.ge [sflag:s8], $0x4000  }
0x2c: {  	[sflag:s8] =	ssyncset.done $0x0  }
0x2d: {  	s0 =	rddreg [dreg:$0x5];
	[sflag:s8] =	ssyncadd.s32 $0xFFFFC000  }
0x2e: {  	[hbm4b:s0+s2] =	stream.linear.scatter [tilespmem:s6], [sflag:$0x8], $0x4000, $0x38;
	[tilespmem:$0x18400] =	vst v63  }
0x2f: {  	_ =	swait.ge [sflag:s4], $0x4000  }
0x30: {  	[sflag:s4] =	ssyncset.done $0x0  }
0x31: {  	[sflag:s4] =	ssyncadd.s32 $0xFFFFC000  }
0x32: {  	[tilespmem:s7], [sflag:$0x1] =	stream.indirect.gather [hbm4b:s3+s17], $0x80, s25, s17, $0xb8;
	[tilespmem:$0x18400] =	vst v63  }
0x33: {  	_ =	swait.ge [sflag:s24], $0x4000  }
0x34: {  	[sflag:s24] =	ssyncset.done $0x0  }
0x35: {  	s0 =	rddreg [dreg:$0x6];
	[sflag:s24] =	ssyncadd.s32 $0xFFFFC000  }
0x36: {  	[hbm4b:s0+s2] =	stream.linear.scatter [tilespmem:s19], [sflag:$0x9], $0x4000, $0x38;
	[tilespmem:$0x18400] =	vst v63  }
0x37: {  	_ =	swait.ge [sflag:s5], $0x4000  }
0x38: {  	[sflag:s5] =	ssyncset.done $0x0  }
0x39: {  	[sflag:s5] =	ssyncadd.s32 $0xFFFFC000  }
0x3a: {  	[tilespmem:s6], [sflag:$0x2] =	stream.indirect.gather [hbm4b:s3+s17], $0x80, s23, s17, $0xb8;
	[tilespmem:$0x18400] =	vst v63  }
0x3b: {  	_ =	swait.ge [sflag:s22], $0x4000  }
0x3c: {  	[sflag:s22] =	ssyncset.done $0x0  }
0x3d: {  	s0 =	rddreg [dreg:$0x7];
	[sflag:s22] =	ssyncadd.s32 $0xFFFFC000  }
0x3e: {  	[hbm4b:s0+s2] =	stream.linear.scatter [tilespmem:s18], [sflag:$0xA], $0x4000, $0x38;
	[tilespmem:$0x18400] =	vst v63  }
0x3f: {  	_ =	swait.ge [sflag:s21], $0x4000  }
0x40: {  	[sflag:s21] =	ssyncset.done $0x0  }
0x41: {  	s0 =	rddreg [dreg:$0x8];
	[sflag:s21] =	ssyncadd.s32 $0xFFFFC000  }
0x42: {  	[hbm4b:s0+s2] =	stream.linear.scatter [tilespmem:s16], [sflag:$0xB], $0x4000, $0x38;
	[tilespmem:$0x18400] =	vst v63  }
0x43: {  	_ =	swait.ge [sflag:s20], $0x4000  }
0x44: {  	[sflag:s20] =	ssyncset.done $0x0  }
0x45: {  	s0 =	rddreg [dreg:$0x9];
	[sflag:s20] =	ssyncadd.s32 $0xFFFFC000  }
0x46: {  	[hbm4b:s0+s2] =	stream.linear.scatter [tilespmem:s13], [sflag:$0xC], $0x4000, $0x38;
	[tilespmem:$0x18400] =	vst v63  }
0x47: {  	_ =	swait.ge [sflag:s10], $0x4000  }
0x48: {  	[sflag:s10] =	ssyncset.done $0x0  }
0x49: {  	s0 =	rddreg [dreg:$0xa];
	[sflag:s10] =	ssyncadd.s32 $0xFFFFC000  }
0x4a: {  	[hbm4b:s0+s2] =	stream.linear.scatter [tilespmem:s7], [sflag:$0x7], $0x4000, $0x38;
	[tilespmem:$0x18400] =	vst v63  }
0x4b: {  	_ =	swait.ge [sflag:s8], $0x4000  }
0x4c: {  	[sflag:s8] =	ssyncset.done $0x0  }
0x4d: {  	s0 =	rddreg [dreg:$0xb];
	[sflag:s8] =	ssyncadd.s32 $0xFFFFC000  }
0x4e: {  	[hbm4b:s0+s2] =	stream.linear.scatter [tilespmem:s6], [sflag:$0x8], $0x4000, $0x38;
	[tilespmem:$0x18400] =	vst v63  }
0x4f: {  	_ =	swait.ge [sflag:s14], $0x4000  }
0x50: {  	[sflag:s14] =	ssyncset.done $0x0  }
0x51: {  	[sflag:s14] =	ssyncadd.s32 $0xFFFFC000  }
0x52: {  	_ =	swait.ge [sflag:s12], $0x4000  }
0x53: {  	[sflag:s12] =	ssyncset.done $0x0  }
0x54: {  	[sflag:s12] =	ssyncadd.s32 $0xFFFFC000  }
0x55: {  	_ =	swait.ge [sflag:s11], $0x4000  }
0x56: {  	[sflag:s11] =	ssyncset.done $0x0  }
0x57: {  	[sflag:s11] =	ssyncadd.s32 $0xFFFFC000  }
0x58: {  	_ =	swait.ge [sflag:s9], $0x4000  }
0x59: {  	[sflag:s9] =	ssyncset.done $0x0  }
0x5a: {  	p1 =	sne.s32 s1, $0x1;
	[sflag:s9] =	ssyncadd.s32 $0xFFFFC000  }
.Ltmp1:
0x5b: {  	_ =	swait.ge [sflag:s4], $0x4000;
	(pc) =	sbr.rel @!p1 .LBB2_3-.Ltmp1, $4  }
0x5c: {  	[sflag:s4] =	ssyncset.done $0x0  }
0x5d: {  	[sflag:s4] =	ssyncadd.s32 $0xFFFFC000  }
0x5e: {  	s1 =	sadd.s32 $0xFFFFFFFF, s1;
	_ =	swait.ge [sflag:s5], $0x4000  }
0x5f: {  	p0 =	por $0x1, $0x1;
	s0 =	rddreg [dreg:$0x4];
	[sflag:s5] =	ssyncset.done $0x0  }
.LBB2_2:
0x60: {  	[sflag:s5] =	ssyncadd.s32 $0xFFFFC000  }
0x61: {  	[tilespmem:s2], [sflag:$0xD] =	stream.linear.gather [hbm4b:s0+s2], $0x400, $0x38;
	[tilespmem:$0x18400] =	vst v63  }
0x62: {  	_ =	swait.ge [sflag:s26], $0x400  }
0x63: {  	[sflag:s26] =	ssyncset.done $0x0  }
0x64: {  	[sflag:s26] =	ssyncadd.s32 $0xFFFFFC00  }
0x65: {  	[tilespmem:s7], [sflag:$0x1] =	stream.indirect.gather [hbm4b:s3+s17], $0x80, s2, s17, $0xb8;
	[tilespmem:$0x18400] =	vst v63  }
0x66: {  	_ = 	snop  }
0x67: {  	[tilespmem:s6], [sflag:$0x2] =	stream.indirect.gather [hbm4b:s3+s17], $0x80, s17, s17, $0xb8;
	[tilespmem:$0x18400] =	vst v63  }
0x68: {  	_ = 	snop  }
0x69: {  	[tilespmem:s19], [sflag:$0x3] =	stream.indirect.gather [hbm4b:s3+s17], $0x80, s28, s17, $0xb8;
	[tilespmem:$0x18400] =	vst v63  }
0x6a: {  	_ = 	snop  }
0x6b: {  	[tilespmem:s18], [sflag:$0x4] =	stream.indirect.gather [hbm4b:s3+s17], $0x80, s29, s17, $0xb8;
	[tilespmem:$0x18400] =	vst v63  }
0x6c: {  	_ = 	snop  }
0x6d: {  	[tilespmem:s16], [sflag:$0x5] =	stream.indirect.gather [hbm4b:s3+s17], $0x80, s30, s17, $0xb8;
	[tilespmem:$0x18400] =	vst v63  }
0x6e: {  	_ = 	snop  }
0x6f: {  	[tilespmem:s13], [sflag:$0x6] =	stream.indirect.gather [hbm4b:s3+s17], $0x80, s31, s17, $0xb8;
	[tilespmem:$0x18400] =	vst v63  }
0x70: {  	_ =	swait.ge [sflag:s10], $0x4000  }
0x71: {  	[sflag:s10] =	ssyncset.done $0x0  }
0x72: {  	[sflag:s10] =	ssyncadd.s32 $0xFFFFC000  }
0x73: {  	[hbm4b:s15+s2] =	stream.linear.scatter [tilespmem:s7], [sflag:$0x7], $0x4000, $0x38;
	[tilespmem:$0x18400] =	vst v63  }
0x74: {  	_ =	swait.ge [sflag:s8], $0x4000  }
0x75: {  	[sflag:s8] =	ssyncset.done $0x0  }
0x76: {  	s0 =	rddreg [dreg:$0x5];
	[sflag:s8] =	ssyncadd.s32 $0xFFFFC000  }
0x77: {  	[hbm4b:s0+s2] =	stream.linear.scatter [tilespmem:s6], [sflag:$0x8], $0x4000, $0x38;
	[tilespmem:$0x18400] =	vst v63  }
0x78: {  	_ =	swait.ge [sflag:s4], $0x4000  }
0x79: {  	[sflag:s4] =	ssyncset.done $0x0  }
0x7a: {  	[sflag:s4] =	ssyncadd.s32 $0xFFFFC000  }
0x7b: {  	[tilespmem:s7], [sflag:$0x1] =	stream.indirect.gather [hbm4b:s3+s17], $0x80, s25, s17, $0xb8;
	[tilespmem:$0x18400] =	vst v63  }
0x7c: {  	_ =	swait.ge [sflag:s24], $0x4000  }
0x7d: {  	[sflag:s24] =	ssyncset.done $0x0  }
0x7e: {  	s0 =	rddreg [dreg:$0x6];
	[sflag:s24] =	ssyncadd.s32 $0xFFFFC000  }
0x7f: {  	[hbm4b:s0+s2] =	stream.linear.scatter [tilespmem:s19], [sflag:$0x9], $0x4000, $0x38;
	[tilespmem:$0x18400] =	vst v63  }
0x80: {  	_ =	swait.ge [sflag:s5], $0x4000  }
0x81: {  	[sflag:s5] =	ssyncset.done $0x0  }
0x82: {  	[sflag:s5] =	ssyncadd.s32 $0xFFFFC000  }
0x83: {  	[tilespmem:s6], [sflag:$0x2] =	stream.indirect.gather [hbm4b:s3+s17], $0x80, s23, s17, $0xb8;
	[tilespmem:$0x18400] =	vst v63  }
0x84: {  	_ =	swait.ge [sflag:s22], $0x4000  }
0x85: {  	[sflag:s22] =	ssyncset.done $0x0  }
0x86: {  	s0 =	rddreg [dreg:$0x7];
	[sflag:s22] =	ssyncadd.s32 $0xFFFFC000  }
0x87: {  	[hbm4b:s0+s2] =	stream.linear.scatter [tilespmem:s18], [sflag:$0xA], $0x4000, $0x38;
	[tilespmem:$0x18400] =	vst v63  }
0x88: {  	_ =	swait.ge [sflag:s21], $0x4000  }
0x89: {  	[sflag:s21] =	ssyncset.done $0x0  }
0x8a: {  	s0 =	rddreg [dreg:$0x8];
	[sflag:s21] =	ssyncadd.s32 $0xFFFFC000  }
0x8b: {  	[hbm4b:s0+s2] =	stream.linear.scatter [tilespmem:s16], [sflag:$0xB], $0x4000, $0x38;
	[tilespmem:$0x18400] =	vst v63  }
0x8c: {  	_ =	swait.ge [sflag:s20], $0x4000  }
0x8d: {  	[sflag:s20] =	ssyncset.done $0x0  }
0x8e: {  	s0 =	rddreg [dreg:$0x9];
	[sflag:s20] =	ssyncadd.s32 $0xFFFFC000  }
0x8f: {  	[hbm4b:s0+s2] =	stream.linear.scatter [tilespmem:s13], [sflag:$0xC], $0x4000, $0x38;
	[tilespmem:$0x18400] =	vst v63  }
0x90: {  	_ =	swait.ge [sflag:s10], $0x4000  }
0x91: {  	[sflag:s10] =	ssyncset.done $0x0  }
0x92: {  	s0 =	rddreg [dreg:$0xa];
	[sflag:s10] =	ssyncadd.s32 $0xFFFFC000  }
0x93: {  	[hbm4b:s0+s2] =	stream.linear.scatter [tilespmem:s7], [sflag:$0x7], $0x4000, $0x38;
	[tilespmem:$0x18400] =	vst v63  }
0x94: {  	_ =	swait.ge [sflag:s8], $0x4000  }
0x95: {  	[sflag:s8] =	ssyncset.done $0x0  }
0x96: {  	s0 =	rddreg [dreg:$0xb];
	[sflag:s8] =	ssyncadd.s32 $0xFFFFC000  }
0x97: {  	[hbm4b:s0+s2] =	stream.linear.scatter [tilespmem:s6], [sflag:$0x8], $0x4000, $0x38;
	[tilespmem:$0x18400] =	vst v63  }
0x98: {  	_ =	swait.ge [sflag:s14], $0x4000  }
0x99: {  	[sflag:s14] =	ssyncset.done $0x0  }
0x9a: {  	[sflag:s14] =	ssyncadd.s32 $0xFFFFC000  }
0x9b: {  	_ =	swait.ge [sflag:s12], $0x4000  }
0x9c: {  	[sflag:s12] =	ssyncset.done $0x0  }
0x9d: {  	[sflag:s12] =	ssyncadd.s32 $0xFFFFC000  }
0x9e: {  	_ =	swait.ge [sflag:s11], $0x4000  }
0x9f: {  	[sflag:s11] =	ssyncset.done $0x0  }
0xa0: {  	[sflag:s11] =	ssyncadd.s32 $0xFFFFC000  }
0xa1: {  	_ =	swait.ge [sflag:s9], $0x4000  }
0xa2: {  	[sflag:s9] =	ssyncset.done $0x0  }
0xa3: {  	p1 =	sne.s32 s1, $0x1;
	[sflag:s9] =	ssyncadd.s32 $0xFFFFC000  }
.Ltmp2:
0xa4: {  	_ =	swait.ge [sflag:s4], $0x4000;
	(pc) =	sbr.rel @p1 .LBB2_2-.Ltmp2, $4  }
0xa5: {  	[sflag:s4] =	ssyncset.done $0x0  }
0xa6: {  	[sflag:s4] =	ssyncadd.s32 $0xFFFFC000  }
0xa7: {  	_ =	swait.ge [sflag:s5], $0x4000  }
0xa8: {  	s1 =	sadd.s32 $0xFFFFFFFF, s1;
	s0 =	rddreg [dreg:$0x4];
	[sflag:s5] =	ssyncset.done $0x0  }
.LBB2_3:
0xa9: {  	[sflag:s5] =	ssyncadd.s32 @p0 $0xFFFFC000  }
0xaa: {  	[tilespmem:s2], [sflag:$0xD] =	stream.linear.gather [hbm4b:s0+s2], $0x400, $0x38;
	[tilespmem:$0x18400] =	vst v63  }
0xab: {  	_ =	swait.ge [sflag:s26], $0x400  }
0xac: {  	[sflag:s26] =	ssyncset.done $0x0  }
0xad: {  	[sflag:s26] =	ssyncadd.s32 $0xFFFFFC00  }
0xae: {  	[tilespmem:s7], [sflag:$0x1] =	stream.indirect.gather [hbm4b:s3+s17], $0x80, s2, s17, $0xb8;
	[tilespmem:$0x18400] =	vst v63  }
0xaf: {  	_ = 	snop  }
0xb0: {  	[tilespmem:s6], [sflag:$0x2] =	stream.indirect.gather [hbm4b:s3+s17], $0x80, s17, s17, $0xb8;
	[tilespmem:$0x18400] =	vst v63  }
0xb1: {  	_ = 	snop  }
0xb2: {  	[tilespmem:s19], [sflag:$0x3] =	stream.indirect.gather [hbm4b:s3+s17], $0x80, s28, s17, $0xb8;
	[tilespmem:$0x18400] =	vst v63  }
0xb3: {  	_ = 	snop  }
0xb4: {  	[tilespmem:s18], [sflag:$0x4] =	stream.indirect.gather [hbm4b:s3+s17], $0x80, s29, s17, $0xb8;
	[tilespmem:$0x18400] =	vst v63  }
0xb5: {  	_ = 	snop  }
0xb6: {  	[tilespmem:s16], [sflag:$0x5] =	stream.indirect.gather [hbm4b:s3+s17], $0x80, s30, s17, $0xb8;
	[tilespmem:$0x18400] =	vst v63  }
0xb7: {  	_ = 	snop  }
0xb8: {  	[tilespmem:s13], [sflag:$0x6] =	stream.indirect.gather [hbm4b:s3+s17], $0x80, s31, s17, $0xb8;
	[tilespmem:$0x18400] =	vst v63  }
0xb9: {  	_ =	swait.ge [sflag:s10], $0x4000  }
0xba: {  	[sflag:s10] =	ssyncset.done $0x0  }
0xbb: {  	[sflag:s10] =	ssyncadd.s32 $0xFFFFC000  }
0xbc: {  	[hbm4b:s15+s2] =	stream.linear.scatter [tilespmem:s7], [sflag:$0x7], $0x4000, $0x38;
	[tilespmem:$0x18400] =	vst v63  }
0xbd: {  	_ =	swait.ge [sflag:s8], $0x4000  }
0xbe: {  	[sflag:s8] =	ssyncset.done $0x0  }
0xbf: {  	s1 =	rddreg [dreg:$0x5];
	[sflag:s8] =	ssyncadd.s32 $0xFFFFC000  }
0xc0: {  	[hbm4b:s1+s2] =	stream.linear.scatter [tilespmem:s6], [sflag:$0x8], $0x4000, $0x38;
	[tilespmem:$0x18400] =	vst v63  }
0xc1: {  	_ =	swait.ge [sflag:s4], $0x4000  }
0xc2: {  	[sflag:s4] =	ssyncset.done $0x0  }
0xc3: {  	[sflag:s4] =	ssyncadd.s32 $0xFFFFC000  }
0xc4: {  	[tilespmem:s7], [sflag:$0x1] =	stream.indirect.gather [hbm4b:s3+s17], $0x80, s25, s17, $0xb8;
	[tilespmem:$0x18400] =	vst v63  }
0xc5: {  	_ =	swait.ge [sflag:s24], $0x4000  }
0xc6: {  	[sflag:s24] =	ssyncset.done $0x0  }
0xc7: {  	s15 =	rddreg [dreg:$0x6];
	[sflag:s24] =	ssyncadd.s32 $0xFFFFC000  }
0xc8: {  	[hbm4b:s15+s2] =	stream.linear.scatter [tilespmem:s19], [sflag:$0x9], $0x4000, $0x38;
	[tilespmem:$0x18400] =	vst v63  }
0xc9: {  	_ =	swait.ge [sflag:s5], $0x4000  }
0xca: {  	[sflag:s5] =	ssyncset.done $0x0  }
0xcb: {  	[sflag:s5] =	ssyncadd.s32 $0xFFFFC000  }
0xcc: {  	[tilespmem:s6], [sflag:$0x2] =	stream.indirect.gather [hbm4b:s3+s17], $0x80, s23, s17, $0xb8;
	[tilespmem:$0x18400] =	vst v63  }
0xcd: {  	_ =	swait.ge [sflag:s22], $0x4000  }
0xce: {  	[sflag:s22] =	ssyncset.done $0x0  }
0xcf: {  	s25 =	rddreg [dreg:$0x7];
	[sflag:s22] =	ssyncadd.s32 $0xFFFFC000  }
0xd0: {  	[hbm4b:s25+s2] =	stream.linear.scatter [tilespmem:s18], [sflag:$0xA], $0x4000, $0x38;
	[tilespmem:$0x18400] =	vst v63  }
0xd1: {  	_ =	swait.ge [sflag:s21], $0x4000  }
0xd2: {  	[sflag:s21] =	ssyncset.done $0x0  }
0xd3: {  	s26 =	rddreg [dreg:$0x8];
	[sflag:s21] =	ssyncadd.s32 $0xFFFFC000  }
0xd4: {  	[hbm4b:s26+s2] =	stream.linear.scatter [tilespmem:s16], [sflag:$0xB], $0x4000, $0x38;
	[tilespmem:$0x18400] =	vst v63  }
0xd5: {  	_ =	swait.ge [sflag:s20], $0x4000  }
0xd6: {  	[sflag:s20] =	ssyncset.done $0x0  }
0xd7: {  	s28 =	rddreg [dreg:$0x9];
	[sflag:s20] =	ssyncadd.s32 $0xFFFFC000  }
0xd8: {  	[hbm4b:s28+s2] =	stream.linear.scatter [tilespmem:s13], [sflag:$0xC], $0x4000, $0x38;
	[tilespmem:$0x18400] =	vst v63  }
0xd9: {  	_ =	swait.ge [sflag:s10], $0x4000  }
0xda: {  	[sflag:s10] =	ssyncset.done $0x0  }
0xdb: {  	s29 =	rddreg [dreg:$0xa];
	[sflag:s10] =	ssyncadd.s32 $0xFFFFC000  }
0xdc: {  	[hbm4b:s29+s2] =	stream.linear.scatter [tilespmem:s7], [sflag:$0x7], $0x4000, $0x38;
	[tilespmem:$0x18400] =	vst v63  }
0xdd: {  	_ =	swait.ge [sflag:s8], $0x4000  }
0xde: {  	[sflag:s8] =	ssyncset.done $0x0  }
0xdf: {  	s30 =	rddreg [dreg:$0xb];
	[sflag:s8] =	ssyncadd.s32 $0xFFFFC000  }
0xe0: {  	[hbm4b:s30+s2] =	stream.linear.scatter [tilespmem:s6], [sflag:$0x8], $0x4000, $0x38;
	[tilespmem:$0x18400] =	vst v63  }
0xe1: {  	_ =	swait.ge [sflag:s14], $0x4000  }
0xe2: {  	[sflag:s14] =	ssyncset.done $0x0  }
0xe3: {  	[sflag:s14] =	ssyncadd.s32 $0xFFFFC000  }
0xe4: {  	_ =	swait.ge [sflag:s12], $0x4000  }
0xe5: {  	[sflag:s12] =	ssyncset.done $0x0  }
0xe6: {  	[sflag:s12] =	ssyncadd.s32 $0xFFFFC000  }
0xe7: {  	_ =	swait.ge [sflag:s11], $0x4000  }
0xe8: {  	[sflag:s11] =	ssyncset.done $0x0  }
0xe9: {  	[sflag:s11] =	ssyncadd.s32 $0xFFFFC000  }
0xea: {  	_ =	swait.ge [sflag:s9], $0x4000  }
0xeb: {  	[sflag:s9] =	ssyncset.done $0x0  }
0xec: {  	[sflag:s9] =	ssyncadd.s32 $0xFFFFC000  }
0xed: {  	_ =	swait.ge [sflag:s4], $0x4000  }
0xee: {  	[sflag:s4] =	ssyncset.done $0x0  }
0xef: {  	[sflag:s4] =	ssyncadd.s32 $0xFFFFC000  }
0xf0: {  	_ =	swait.ge [sflag:s5], $0x4000  }
0xf1: {  	[sflag:s5] =	ssyncset.done $0x0  }
0xf2: {  	[sflag:s5] =	ssyncadd.s32 $0xFFFFC000  }
0xf3: {  	_ =	sfence.sel $0x180000  }
0xf4: {  	[bflag:$0x0] =	sbarrier.arrive $0xFFFF  }
0xf5: {  	_ =	strace $0x90000047  }
0xf6: {  	s31 =	stileid.u32;
	[bflag:$0x2] =	sbarrier.arrive $0xFFFF  }
0xf7: {  	p0 =	sne.s32 s31, $0x0;
	s0 =	rddreg [dreg:$0x3]  }
0xf8: {  	s0 =	sadd.s32 @!p0 $0x100000, s0  }
0xf9: {  	[sflag:s0] =	ssyncadd.tile.s32 @!p0 $0x1;
	_ =	shalt  }
.Lfunc_end2:
_tile_overlayer_lowered:
.L_overlay_start_2:
0xfa: {  	(tag) =	ssettag $0x2  }
0xfb: {  	s0 =	rddreg [dreg:$0x0];
	s2 =	stileid.u32  }
0xfc: {  	s1 =	rddreg [dreg:$0x1];
	p0 =	sne.s32 s2, $0x0  }
0xfd: {  	s3 =	rddreg [dreg:$0x2];
	[bflag:$0x3] =	sbarrier.arrive $0xFFFF;
	s2 =	simm.s32 @!p0 $0x1C0D  }
0xfe: {  	[timem:s3], [sflag:s2] =	dma.local @!p0 [hbm:s0], s1  }
0xff: {  	s0 =	simm.s32 @!p0 $0xD  }
0x100: {  	_ =	swait.ge @!p0 [sflag:s0], s1  }
0x101: {  	s1 =	ssub.s32 @!p0 $0x0, s1;
	[sflag:s0] =	ssyncset.done @!p0 $0x0  }
0x102: {  	[sflag:s0] =	ssyncadd.s32 @!p0 s1  }
0x103: {  	[bflag:$0x3] =	sbarrier.arrive $0xFFFF  }
0x104: {  	_ =	shalt  }

</sc_bundles>
